<compile_context>
chip_gen: v7x
topology: tpu7x:2x2x1
jax: 0.10.2.dev20260603
libtpu: 0.0.44.dev20260713+nightly
codegen_flags: <defaults>
</compile_context>

<pallas_src>
import functools

import jax
import jax.numpy as jnp
from jax import lax
from jax.experimental import pallas as pl
from jax.experimental.pallas import tpu as pltpu
from jax.experimental.pallas import tpu_sc as plsc



_NC = 2
_NS = 16
_NW = _NC * _NS
_CHUNK = 80


def _pad_table_body(x_ref, o_ref):
    bm, e_dim = x_ref.shape
    pad = o_ref.shape[1] - e_dim
    o_ref[...] = jnp.concatenate(
        [x_ref[...], jnp.zeros((bm, pad), jnp.float32)], axis=1)


def _pad_table(emb, e_pad, bm=4000):
    v_rows, e_dim = emb.shape
    return pl.pallas_call(
        _pad_table_body,
        grid=(v_rows // bm,),
        in_specs=[pl.BlockSpec((bm, e_dim), lambda i: (i, 0))],
        out_specs=pl.BlockSpec((bm, e_pad), lambda i: (i, 0)),
        out_shape=jax.ShapeDtypeStruct((v_rows, e_pad), jnp.float32),
        compiler_params=pltpu.CompilerParams(
            dimension_semantics=("arbitrary",),
        ),
    )(emb)


def _sc_gather(emb_p, idx3d, n_idx, e_pad):
    rows_per_w = n_idx // _NW
    chunks_per_w = rows_per_w // _CHUNK
    mesh = plsc.VectorSubcoreMesh(core_axis_name="c", subcore_axis_name="s")

    @functools.partial(
        pl.kernel,
        mesh=mesh,
        out_type=jax.ShapeDtypeStruct((n_idx, e_pad), jnp.float32),
        scratch_types=[
            pltpu.VMEM((chunks_per_w, _CHUNK), jnp.int32),
            pltpu.VMEM((_CHUNK, e_pad), jnp.float32),
            pltpu.SemaphoreType.DMA,
        ],
    )
    def gather_kernel(emb_hbm, idx_hbm, out_hbm, idx_v, rows_v, sem):
        wid = lax.axis_index("s") * _NC + lax.axis_index("c")
        base = wid * rows_per_w
        pltpu.sync_copy(idx_hbm.at[wid], idx_v)
        for c in range(chunks_per_w):
            pltpu.async_copy(emb_hbm.at[idx_v.at[c]], rows_v, sem).wait()
            pltpu.sync_copy(rows_v, out_hbm.at[pl.ds(base + c * _CHUNK, _CHUNK)])

    return gather_kernel(emb_p, idx3d)




def _input_matmul_body(x_ref, w_ref, b_ref, o_ref):
    o_ref[...] = (
        jnp.dot(x_ref[...].astype(jnp.bfloat16), w_ref[...],
                preferred_element_type=jnp.float32)
        + b_ref[...]
    ).astype(jnp.bfloat16)


def _input_matmul(x, wcat, bcat, bm=512):
    m, k = x.shape
    kw, n = wcat.shape
    return pl.pallas_call(
        _input_matmul_body,
        grid=(m // bm,),
        in_specs=[
            pl.BlockSpec((bm, k), lambda i: (i, 0)),
            pl.BlockSpec((kw, n), lambda i: (0, 0)),
            pl.BlockSpec((1, n), lambda i: (0, 0)),
        ],
        out_specs=pl.BlockSpec((bm, n), lambda i: (i, 0)),
        out_shape=jax.ShapeDtypeStruct((m, n), jnp.bfloat16),
        compiler_params=pltpu.CompilerParams(
            dimension_semantics=("arbitrary",),
        ),
    )(x, wcat, bcat)




def _gru_scan_body(gi_f_ref, gi_b_ref, whtf_ref, whtb_ref, bnf_ref, bnb_ref,
                   fcw_ref, fcb_ref, out_ref, hf_ref, hb_ref):
    t = pl.program_id(0)
    nsteps = pl.num_programs(0)

    @pl.when(t == 0)
    def _init():
        hf_ref[...] = jnp.zeros_like(hf_ref)
        hb_ref[...] = jnp.zeros_like(hb_ref)

    def gates(gi, gh, bn_ref, h):
        hdim = h.shape[1]
        gi = gi.astype(jnp.float32)
        r = jax.nn.sigmoid(gi[:, :hdim] + gh[:, :hdim])
        z = jax.nn.sigmoid(gi[:, hdim:2 * hdim] + gh[:, hdim:2 * hdim])
        n = jnp.tanh(gi[:, 2 * hdim:] + r * (gh[:, 2 * hdim:] + bn_ref[...]))
        return (1.0 - z) * n + z * h

    def substep(hf, hb, gi_f, gi_b):
        gh_f = jnp.dot(hf.astype(jnp.bfloat16), whtf_ref[...],
                       preferred_element_type=jnp.float32)
        gh_b = jnp.dot(hb.astype(jnp.bfloat16), whtb_ref[...],
                       preferred_element_type=jnp.float32)
        return (gates(gi_f, gh_f, bnf_ref, hf),
                gates(gi_b, gh_b, bnb_ref, hb))

    unroll = gi_f_ref.shape[0]
    hf, hb = hf_ref[...], hb_ref[...]
    for u in range(unroll):
        hf, hb = substep(hf, hb, gi_f_ref[u], gi_b_ref[unroll - 1 - u])
    hf_ref[...] = hf
    hb_ref[...] = hb

    @pl.when(t == nsteps - 1)
    def _head():
        hdim = hf.shape[1]
        wf = fcw_ref[0, :hdim][None, :]
        wb = fcw_ref[0, hdim:][None, :]
        logit = (jnp.sum(hf * wf, axis=1, keepdims=True)
                 + jnp.sum(hb * wb, axis=1, keepdims=True)
                 + fcb_ref[0, 0])
        out_ref[...] = jax.nn.sigmoid(logit)


def _gru_scan(gi, whtf, whtb, bnf, bnb, fcw, fcb, t_len, b_dim, h_dim):
    g3 = 3 * h_dim
    unroll = 8
    hsteps = t_len // unroll
    return pl.pallas_call(
        _gru_scan_body,
        grid=(hsteps,),
        in_specs=[
            pl.BlockSpec((unroll, b_dim, g3), lambda t: (t, 0, 0)),
            pl.BlockSpec((unroll, b_dim, g3), lambda t: (hsteps - 1 - t, 0, 1)),
            pl.BlockSpec((h_dim, g3), lambda t: (0, 0)),
            pl.BlockSpec((h_dim, g3), lambda t: (0, 0)),
            pl.BlockSpec((1, h_dim), lambda t: (0, 0)),
            pl.BlockSpec((1, h_dim), lambda t: (0, 0)),
            pl.BlockSpec((1, 2 * h_dim), lambda t: (0, 0)),
            pl.BlockSpec((1, 1), lambda t: (0, 0)),
        ],
        out_specs=pl.BlockSpec((b_dim, 1), lambda t: (0, 0)),
        out_shape=jax.ShapeDtypeStruct((b_dim, 1), jnp.float32),
        scratch_shapes=[
            pltpu.VMEM((b_dim, h_dim), jnp.float32),
            pltpu.VMEM((b_dim, h_dim), jnp.float32),
        ],
        compiler_params=pltpu.CompilerParams(
            dimension_semantics=("arbitrary",),
        ),
    )(gi, gi, whtf, whtb, bnf, bnb, fcw, fcb)




def kernel(input, emb, Wih_f, Whh_f, bih_f, bhh_f, Wih_b, Whh_b, bih_b, bhh_b,
           fcW, fcb):
    b_dim, t_len = input.shape
    v_dim, e_dim = emb.shape
    h_dim = Whh_f.shape[1]
    n_idx = b_dim * t_len

    e_pad = (e_dim + 127) // 128 * 128
    emb_p = _pad_table(emb, e_pad)
    idx3d = input.T.reshape(_NW, n_idx // (_NW * _CHUNK), _CHUNK).astype(jnp.int32)
    x = _sc_gather(emb_p, idx3d, n_idx, e_pad)

    def fold_bias(bih, bhh):
        return jnp.concatenate(
            [bih[: 2 * h_dim] + bhh[: 2 * h_dim], bih[2 * h_dim:]])

    wcat = jnp.concatenate([Wih_f.T, Wih_b.T], axis=1)
    wcat = jnp.pad(wcat, ((0, e_pad - e_dim), (0, 0)))
    wcat = wcat.astype(jnp.bfloat16)
    bcat = jnp.concatenate([fold_bias(bih_f, bhh_f),
                            fold_bias(bih_b, bhh_b)])[None, :]
    gi = _input_matmul(x, wcat, bcat)
    gi = gi.reshape(t_len, b_dim, 6 * h_dim)

    label = _gru_scan(
        gi,
        Whh_f.T.astype(jnp.bfloat16), Whh_b.T.astype(jnp.bfloat16),
        bhh_f[2 * h_dim:][None, :], bhh_b[2 * h_dim:][None, :],
        fcW, fcb.reshape(1, 1),
        t_len, b_dim, h_dim,
    )
    return jnp.squeeze(label, axis=1)

# --- scband reference (transcript-rebuilt; emitter-appended) ---
"""Pipeline reference for scband-rnn-7164005449821 (READ-ONLY COPY).

The authoritative reference and input builder live on the scoring server;
editing this copy changes nothing except your own understanding.
"""

import jax, jax.numpy as jnp
import numpy as np

V = 100000
E = 300
H = 512
B = 64
T = 200


def setup_inputs(seed: int = 0) -> dict:
    key = jax.random.key(seed)
    ks = jax.random.split(key, 13)
    s = 1.0 / np.sqrt(H)
    inp = {}
    inp["input"] = jax.random.randint(ks[0], (B, T), 0, V)
    inp["emb"] = jax.random.normal(ks[1], (V, E), dtype=jnp.float32)
    inp["Wih_f"] = jax.random.uniform(ks[2], (3 * H, E), jnp.float32, -s, s)
    inp["Whh_f"] = jax.random.uniform(ks[3], (3 * H, H), jnp.float32, -s, s)
    inp["bih_f"] = jax.random.uniform(ks[4], (3 * H,), jnp.float32, -s, s)
    inp["bhh_f"] = jax.random.uniform(ks[5], (3 * H,), jnp.float32, -s, s)
    inp["Wih_b"] = jax.random.uniform(ks[6], (3 * H, E), jnp.float32, -s, s)
    inp["Whh_b"] = jax.random.uniform(ks[7], (3 * H, H), jnp.float32, -s, s)
    inp["bih_b"] = jax.random.uniform(ks[8], (3 * H,), jnp.float32, -s, s)
    inp["bhh_b"] = jax.random.uniform(ks[9], (3 * H,), jnp.float32, -s, s)
    inp["fcW"] = jax.random.uniform(ks[10], (1, 2 * H), jnp.float32, -s, s)
    inp["fcb"] = jax.random.uniform(ks[11], (1,), jnp.float32, -s, s)
    return inp


def _gru_dir(x, Wih, Whh, bih, bhh):
    # x: [B, T, E]; returns final hidden state [B, H]
    h0 = jnp.zeros((x.shape[0], Whh.shape[1]), x.dtype)
    xt = jnp.swapaxes(x, 0, 1)  # [T, B, E]

    def step(h, x_t):
        gi = x_t @ Wih.T + bih
        gh = h @ Whh.T + bhh
        i_r, i_z, i_n = jnp.split(gi, 3, axis=-1)
        h_r, h_z, h_n = jnp.split(gh, 3, axis=-1)
        r = jax.nn.sigmoid(i_r + h_r)
        z = jax.nn.sigmoid(i_z + h_z)
        n = jnp.tanh(i_n + r * h_n)
        h_new = (1.0 - z) * n + z * h
        return h_new, None

    h_final, _ = jax.lax.scan(step, h0, xt)
    return h_final


def reference(input, emb, Wih_f, Whh_f, bih_f, bhh_f, Wih_b, Whh_b, bih_b, bhh_b, fcW, fcb):
    # embedding lookup
    x = jnp.take(emb, input, axis=0)  # [B, T, E]
    # bidirectional single-layer GRU (dropout is identity at inference)
    h_fwd = _gru_dir(x, Wih_f, Whh_f, bih_f, bhh_f)
    h_bwd = _gru_dir(x[:, ::-1, :], Wih_b, Whh_b, bih_b, bhh_b)
    hidden = jnp.concatenate([h_fwd, h_bwd], axis=1)  # [B, 2H]
    label = jax.nn.sigmoid(hidden @ fcW.T + fcb)  # [B, 1]
    return jnp.squeeze(label)

if __name__ == "__main__":
    import jax
    _d = setup_inputs()
    print(jax.jit(kernel)(*tuple(_d.values())))

</pallas_src>

<mosaic_0001>
#map = affine_map<(d0, d1) -> (0, 0)>
#map1 = affine_map<(d0, d1) -> (0, 0, 0)>
module attributes {stable_mosaic.version = 14 : i64} {
  func.func @gather_kernel(%arg0: i32, %arg1: i32, %arg2: memref<100000x384xf32, #tpu.memory_space<hbm>>, %arg3: memref<32x5x80xi32, #tpu.memory_space<hbm>>, %arg4: memref<12800x384xf32, #tpu.memory_space<hbm>>, %arg5: memref<5x80xi32, #tpu.memory_space<vmem>>, %arg6: memref<80x384xf32, #tpu.memory_space<vmem>>, %arg7: memref<!tpu.dma_semaphore, #tpu.memory_space<semaphore_mem>>) attributes {dimension_semantics = [#tpu.dimension_semantics<core_parallel>, #tpu.dimension_semantics<subcore_parallel>], iteration_bounds = array<i64: 2, 16>, scalar_prefetch = 0 : i64, scratch_operands = 3 : i64, tpu.core_type = #tpu.core_type<sc_vector_subcore>, window_params = [{transform_indices = #map}, {transform_indices = #map1}, {transform_indices = #map}]} {
    %mul3A = arith.constant 2 : i32
    %mul3A_0 = arith.muli %arg1, %mul3A : i32
    %add3A = arith.addi %mul3A_0, %arg0 : i32
    %mul3A_1 = arith.constant 400 : i32
    %mul3A_2 = arith.muli %add3A, %mul3A_1 : i32
    "tpu.region"() ({
      %run_scoped3A = tpu.sem_alloc : memref<!tpu.dma_semaphore, #tpu.memory_space<semaphore_mem>>
      %dma_start3A_81 = arith.constant 0 : i32
      %dma_start3A_82 = arith.constant 0 : i32
      %dma_start3A_83 = tpu.memref_slice %arg3[%add3A, %dma_start3A_81, %dma_start3A_82] : memref<32x5x80xi32, #tpu.memory_space<hbm>> -> memref<1x5x80xi32, #tpu.memory_space<hbm>>
      %dma_start3A_84 = tpu.memref_squeeze %dma_start3A_83 : memref<1x5x80xi32, #tpu.memory_space<hbm>> -> memref<5x80xi32, #tpu.memory_space<hbm>>
      %dma_start3A_85 = arith.constant 0 : i32
      %dma_start3A_86 = arith.constant 0 : i32
      %dma_start3A_87 = tpu.memref_slice %arg3[%add3A, %dma_start3A_85, %dma_start3A_86] : memref<32x5x80xi32, #tpu.memory_space<hbm>> -> memref<1x5x80xi32, #tpu.memory_space<hbm>>
      %dma_start3A_88 = tpu.memref_squeeze %dma_start3A_87 : memref<1x5x80xi32, #tpu.memory_space<hbm>> -> memref<5x80xi32, #tpu.memory_space<hbm>>
      tpu.enqueue_dma source(%dma_start3A_88 : memref<5x80xi32, #tpu.memory_space<hbm>>) target(%arg5 : memref<5x80xi32, #tpu.memory_space<vmem>>) target_semaphore(%run_scoped3A : memref<!tpu.dma_semaphore, #tpu.memory_space<semaphore_mem>>)
      %dma_wait3A_89 = arith.constant 0 : i32
      %dma_wait3A_90 = arith.constant 0 : i32
      %dma_wait3A_91 = tpu.memref_slice %arg3[%add3A, %dma_wait3A_89, %dma_wait3A_90] : memref<32x5x80xi32, #tpu.memory_space<hbm>> -> memref<1x5x80xi32, #tpu.memory_space<hbm>>
      %dma_wait3A_92 = tpu.memref_squeeze %dma_wait3A_91 : memref<1x5x80xi32, #tpu.memory_space<hbm>> -> memref<5x80xi32, #tpu.memory_space<hbm>>
      %dma_wait3A_93 = arith.constant 0 : i32
      %dma_wait3A_94 = arith.constant 0 : i32
      %dma_wait3A_95 = tpu.memref_slice %arg3[%add3A, %dma_wait3A_93, %dma_wait3A_94] : memref<32x5x80xi32, #tpu.memory_space<hbm>> -> memref<1x5x80xi32, #tpu.memory_space<hbm>>
      %dma_wait3A_96 = tpu.memref_squeeze %dma_wait3A_95 : memref<1x5x80xi32, #tpu.memory_space<hbm>> -> memref<5x80xi32, #tpu.memory_space<hbm>>
      tpu.wait_dma2 semaphore(%run_scoped3A : memref<!tpu.dma_semaphore, #tpu.memory_space<semaphore_mem>>) src(%dma_wait3A_96 : memref<5x80xi32, #tpu.memory_space<hbm>>) dst(%arg5 : memref<5x80xi32, #tpu.memory_space<vmem>>)
      tpu.yield
    }) : () -> ()
    %dma_start3A = arith.constant 0 : i32
    %dma_start3A_3 = arith.constant 0 : i32
    %dma_start3A_4 = tpu.memref_slice %arg5[%dma_start3A, %dma_start3A_3] : memref<5x80xi32, #tpu.memory_space<vmem>> -> memref<1x80xi32, #tpu.memory_space<vmem>>
    %dma_start3A_5 = tpu.memref_squeeze %dma_start3A_4 : memref<1x80xi32, #tpu.memory_space<vmem>> -> memref<80xi32, #tpu.memory_space<vmem>>
    %dma_start3A_6 = arith.constant 0 : i32
    %dma_start3A_7 = arith.constant 0 : i32
    %dma_start3A_8 = tpu.memref_slice %arg2[%dma_start3A_6, %dma_start3A_7] : memref<100000x384xf32, #tpu.memory_space<hbm>> -> memref<100000x384xf32, #tpu.memory_space<hbm>>
    tpu.enqueue_indirect_dma source(%dma_start3A_8 : memref<100000x384xf32, #tpu.memory_space<hbm>>) target(%arg6 : memref<80x384xf32, #tpu.memory_space<vmem>>) offsets(%dma_start3A_5 : memref<80xi32, #tpu.memory_space<vmem>>) semaphore(%arg7 : memref<!tpu.dma_semaphore, #tpu.memory_space<semaphore_mem>>)
    %dma_wait3A = arith.constant 0 : i32
    %dma_wait3A_9 = arith.constant 0 : i32
    %dma_wait3A_10 = tpu.memref_slice %arg5[%dma_wait3A, %dma_wait3A_9] : memref<5x80xi32, #tpu.memory_space<vmem>> -> memref<1x80xi32, #tpu.memory_space<vmem>>
    %dma_wait3A_11 = tpu.memref_squeeze %dma_wait3A_10 : memref<1x80xi32, #tpu.memory_space<vmem>> -> memref<80xi32, #tpu.memory_space<vmem>>
    %dma_wait3A_12 = arith.constant 0 : i32
    %dma_wait3A_13 = arith.constant 0 : i32
    %dma_wait3A_14 = tpu.memref_slice %arg2[%dma_wait3A_12, %dma_wait3A_13] : memref<100000x384xf32, #tpu.memory_space<hbm>> -> memref<100000x384xf32, #tpu.memory_space<hbm>>
    tpu.wait_indirect_dma semaphore(%arg7 : memref<!tpu.dma_semaphore, #tpu.memory_space<semaphore_mem>>) src(%dma_wait3A_14 : memref<100000x384xf32, #tpu.memory_space<hbm>>) dst(%arg6 : memref<80x384xf32, #tpu.memory_space<vmem>>)
    %add3A_15 = arith.constant 0 : i32
    %add3A_16 = arith.addi %mul3A_2, %add3A_15 : i32
    "tpu.region"() ({
      %run_scoped3A = tpu.sem_alloc : memref<!tpu.dma_semaphore, #tpu.memory_space<semaphore_mem>>
      %dma_start3A_81 = arith.constant 0 : i32
      %dma_start3A_82 = tpu.memref_slice %arg4[%add3A_16, %dma_start3A_81] : memref<12800x384xf32, #tpu.memory_space<hbm>> -> memref<80x384xf32, #tpu.memory_space<hbm>>
      %dma_start3A_83 = arith.constant 0 : i32
      %dma_start3A_84 = tpu.memref_slice %arg4[%add3A_16, %dma_start3A_83] : memref<12800x384xf32, #tpu.memory_space<hbm>> -> memref<80x384xf32, #tpu.memory_space<hbm>>
      tpu.enqueue_dma source(%arg6 : memref<80x384xf32, #tpu.memory_space<vmem>>) target(%dma_start3A_84 : memref<80x384xf32, #tpu.memory_space<hbm>>) target_semaphore(%run_scoped3A : memref<!tpu.dma_semaphore, #tpu.memory_space<semaphore_mem>>)
      %dma_wait3A_85 = arith.constant 0 : i32
      %dma_wait3A_86 = tpu.memref_slice %arg4[%add3A_16, %dma_wait3A_85] : memref<12800x384xf32, #tpu.memory_space<hbm>> -> memref<80x384xf32, #tpu.memory_space<hbm>>
      %dma_wait3A_87 = arith.constant 0 : i32
      %dma_wait3A_88 = tpu.memref_slice %arg4[%add3A_16, %dma_wait3A_87] : memref<12800x384xf32, #tpu.memory_space<hbm>> -> memref<80x384xf32, #tpu.memory_space<hbm>>
      tpu.wait_dma2 semaphore(%run_scoped3A : memref<!tpu.dma_semaphore, #tpu.memory_space<semaphore_mem>>) src(%arg6 : memref<80x384xf32, #tpu.memory_space<vmem>>) dst(%dma_wait3A_88 : memref<80x384xf32, #tpu.memory_space<hbm>>)
      tpu.yield
    }) : () -> ()
    %dma_start3A_17 = arith.constant 1 : i32
    %dma_start3A_18 = arith.constant 0 : i32
    %dma_start3A_19 = tpu.memref_slice %arg5[%dma_start3A_17, %dma_start3A_18] : memref<5x80xi32, #tpu.memory_space<vmem>> -> memref<1x80xi32, #tpu.memory_space<vmem>>
    %dma_start3A_20 = tpu.memref_squeeze %dma_start3A_19 : memref<1x80xi32, #tpu.memory_space<vmem>> -> memref<80xi32, #tpu.memory_space<vmem>>
    %dma_start3A_21 = arith.constant 0 : i32
    %dma_start3A_22 = arith.constant 0 : i32
    %dma_start3A_23 = tpu.memref_slice %arg2[%dma_start3A_21, %dma_start3A_22] : memref<100000x384xf32, #tpu.memory_space<hbm>> -> memref<100000x384xf32, #tpu.memory_space<hbm>>
    tpu.enqueue_indirect_dma source(%dma_start3A_23 : memref<100000x384xf32, #tpu.memory_space<hbm>>) target(%arg6 : memref<80x384xf32, #tpu.memory_space<vmem>>) offsets(%dma_start3A_20 : memref<80xi32, #tpu.memory_space<vmem>>) semaphore(%arg7 : memref<!tpu.dma_semaphore, #tpu.memory_space<semaphore_mem>>)
    %dma_wait3A_24 = arith.constant 1 : i32
    %dma_wait3A_25 = arith.constant 0 : i32
    %dma_wait3A_26 = tpu.memref_slice %arg5[%dma_wait3A_24, %dma_wait3A_25] : memref<5x80xi32, #tpu.memory_space<vmem>> -> memref<1x80xi32, #tpu.memory_space<vmem>>
    %dma_wait3A_27 = tpu.memref_squeeze %dma_wait3A_26 : memref<1x80xi32, #tpu.memory_space<vmem>> -> memref<80xi32, #tpu.memory_space<vmem>>
    %dma_wait3A_28 = arith.constant 0 : i32
    %dma_wait3A_29 = arith.constant 0 : i32
    %dma_wait3A_30 = tpu.memref_slice %arg2[%dma_wait3A_28, %dma_wait3A_29] : memref<100000x384xf32, #tpu.memory_space<hbm>> -> memref<100000x384xf32, #tpu.memory_space<hbm>>
    tpu.wait_indirect_dma semaphore(%arg7 : memref<!tpu.dma_semaphore, #tpu.memory_space<semaphore_mem>>) src(%dma_wait3A_30 : memref<100000x384xf32, #tpu.memory_space<hbm>>) dst(%arg6 : memref<80x384xf32, #tpu.memory_space<vmem>>)
    %add3A_31 = arith.constant 80 : i32
    %add3A_32 = arith.addi %mul3A_2, %add3A_31 : i32
    "tpu.region"() ({
      %run_scoped3A = tpu.sem_alloc : memref<!tpu.dma_semaphore, #tpu.memory_space<semaphore_mem>>
      %dma_start3A_81 = arith.constant 0 : i32
      %dma_start3A_82 = tpu.memref_slice %arg4[%add3A_32, %dma_start3A_81] : memref<12800x384xf32, #tpu.memory_space<hbm>> -> memref<80x384xf32, #tpu.memory_space<hbm>>
      %dma_start3A_83 = arith.constant 0 : i32
      %dma_start3A_84 = tpu.memref_slice %arg4[%add3A_32, %dma_start3A_83] : memref<12800x384xf32, #tpu.memory_space<hbm>> -> memref<80x384xf32, #tpu.memory_space<hbm>>
      tpu.enqueue_dma source(%arg6 : memref<80x384xf32, #tpu.memory_space<vmem>>) target(%dma_start3A_84 : memref<80x384xf32, #tpu.memory_space<hbm>>) target_semaphore(%run_scoped3A : memref<!tpu.dma_semaphore, #tpu.memory_space<semaphore_mem>>)
      %dma_wait3A_85 = arith.constant 0 : i32
      %dma_wait3A_86 = tpu.memref_slice %arg4[%add3A_32, %dma_wait3A_85] : memref<12800x384xf32, #tpu.memory_space<hbm>> -> memref<80x384xf32, #tpu.memory_space<hbm>>
      %dma_wait3A_87 = arith.constant 0 : i32
      %dma_wait3A_88 = tpu.memref_slice %arg4[%add3A_32, %dma_wait3A_87] : memref<12800x384xf32, #tpu.memory_space<hbm>> -> memref<80x384xf32, #tpu.memory_space<hbm>>
      tpu.wait_dma2 semaphore(%run_scoped3A : memref<!tpu.dma_semaphore, #tpu.memory_space<semaphore_mem>>) src(%arg6 : memref<80x384xf32, #tpu.memory_space<vmem>>) dst(%dma_wait3A_88 : memref<80x384xf32, #tpu.memory_space<hbm>>)
      tpu.yield
    }) : () -> ()
    %dma_start3A_33 = arith.constant 2 : i32
    %dma_start3A_34 = arith.constant 0 : i32
    %dma_start3A_35 = tpu.memref_slice %arg5[%dma_start3A_33, %dma_start3A_34] : memref<5x80xi32, #tpu.memory_space<vmem>> -> memref<1x80xi32, #tpu.memory_space<vmem>>
    %dma_start3A_36 = tpu.memref_squeeze %dma_start3A_35 : memref<1x80xi32, #tpu.memory_space<vmem>> -> memref<80xi32, #tpu.memory_space<vmem>>
    %dma_start3A_37 = arith.constant 0 : i32
    %dma_start3A_38 = arith.constant 0 : i32
    %dma_start3A_39 = tpu.memref_slice %arg2[%dma_start3A_37, %dma_start3A_38] : memref<100000x384xf32, #tpu.memory_space<hbm>> -> memref<100000x384xf32, #tpu.memory_space<hbm>>
    tpu.enqueue_indirect_dma source(%dma_start3A_39 : memref<100000x384xf32, #tpu.memory_space<hbm>>) target(%arg6 : memref<80x384xf32, #tpu.memory_space<vmem>>) offsets(%dma_start3A_36 : memref<80xi32, #tpu.memory_space<vmem>>) semaphore(%arg7 : memref<!tpu.dma_semaphore, #tpu.memory_space<semaphore_mem>>)
    %dma_wait3A_40 = arith.constant 2 : i32
    %dma_wait3A_41 = arith.constant 0 : i32
    %dma_wait3A_42 = tpu.memref_slice %arg5[%dma_wait3A_40, %dma_wait3A_41] : memref<5x80xi32, #tpu.memory_space<vmem>> -> memref<1x80xi32, #tpu.memory_space<vmem>>
    %dma_wait3A_43 = tpu.memref_squeeze %dma_wait3A_42 : memref<1x80xi32, #tpu.memory_space<vmem>> -> memref<80xi32, #tpu.memory_space<vmem>>
    %dma_wait3A_44 = arith.constant 0 : i32
    %dma_wait3A_45 = arith.constant 0 : i32
    %dma_wait3A_46 = tpu.memref_slice %arg2[%dma_wait3A_44, %dma_wait3A_45] : memref<100000x384xf32, #tpu.memory_space<hbm>> -> memref<100000x384xf32, #tpu.memory_space<hbm>>
    tpu.wait_indirect_dma semaphore(%arg7 : memref<!tpu.dma_semaphore, #tpu.memory_space<semaphore_mem>>) src(%dma_wait3A_46 : memref<100000x384xf32, #tpu.memory_space<hbm>>) dst(%arg6 : memref<80x384xf32, #tpu.memory_space<vmem>>)
    %add3A_47 = arith.constant 160 : i32
    %add3A_48 = arith.addi %mul3A_2, %add3A_47 : i32
    "tpu.region"() ({
      %run_scoped3A = tpu.sem_alloc : memref<!tpu.dma_semaphore, #tpu.memory_space<semaphore_mem>>
      %dma_start3A_81 = arith.constant 0 : i32
      %dma_start3A_82 = tpu.memref_slice %arg4[%add3A_48, %dma_start3A_81] : memref<12800x384xf32, #tpu.memory_space<hbm>> -> memref<80x384xf32, #tpu.memory_space<hbm>>
      %dma_start3A_83 = arith.constant 0 : i32
      %dma_start3A_84 = tpu.memref_slice %arg4[%add3A_48, %dma_start3A_83] : memref<12800x384xf32, #tpu.memory_space<hbm>> -> memref<80x384xf32, #tpu.memory_space<hbm>>
      tpu.enqueue_dma source(%arg6 : memref<80x384xf32, #tpu.memory_space<vmem>>) target(%dma_start3A_84 : memref<80x384xf32, #tpu.memory_space<hbm>>) target_semaphore(%run_scoped3A : memref<!tpu.dma_semaphore, #tpu.memory_space<semaphore_mem>>)
      %dma_wait3A_85 = arith.constant 0 : i32
      %dma_wait3A_86 = tpu.memref_slice %arg4[%add3A_48, %dma_wait3A_85] : memref<12800x384xf32, #tpu.memory_space<hbm>> -> memref<80x384xf32, #tpu.memory_space<hbm>>
      %dma_wait3A_87 = arith.constant 0 : i32
      %dma_wait3A_88 = tpu.memref_slice %arg4[%add3A_48, %dma_wait3A_87] : memref<12800x384xf32, #tpu.memory_space<hbm>> -> memref<80x384xf32, #tpu.memory_space<hbm>>
      tpu.wait_dma2 semaphore(%run_scoped3A : memref<!tpu.dma_semaphore, #tpu.memory_space<semaphore_mem>>) src(%arg6 : memref<80x384xf32, #tpu.memory_space<vmem>>) dst(%dma_wait3A_88 : memref<80x384xf32, #tpu.memory_space<hbm>>)
      tpu.yield
    }) : () -> ()
    %dma_start3A_49 = arith.constant 3 : i32
    %dma_start3A_50 = arith.constant 0 : i32
    %dma_start3A_51 = tpu.memref_slice %arg5[%dma_start3A_49, %dma_start3A_50] : memref<5x80xi32, #tpu.memory_space<vmem>> -> memref<1x80xi32, #tpu.memory_space<vmem>>
    %dma_start3A_52 = tpu.memref_squeeze %dma_start3A_51 : memref<1x80xi32, #tpu.memory_space<vmem>> -> memref<80xi32, #tpu.memory_space<vmem>>
    %dma_start3A_53 = arith.constant 0 : i32
    %dma_start3A_54 = arith.constant 0 : i32
    %dma_start3A_55 = tpu.memref_slice %arg2[%dma_start3A_53, %dma_start3A_54] : memref<100000x384xf32, #tpu.memory_space<hbm>> -> memref<100000x384xf32, #tpu.memory_space<hbm>>
    tpu.enqueue_indirect_dma source(%dma_start3A_55 : memref<100000x384xf32, #tpu.memory_space<hbm>>) target(%arg6 : memref<80x384xf32, #tpu.memory_space<vmem>>) offsets(%dma_start3A_52 : memref<80xi32, #tpu.memory_space<vmem>>) semaphore(%arg7 : memref<!tpu.dma_semaphore, #tpu.memory_space<semaphore_mem>>)
    %dma_wait3A_56 = arith.constant 3 : i32
    %dma_wait3A_57 = arith.constant 0 : i32
    %dma_wait3A_58 = tpu.memref_slice %arg5[%dma_wait3A_56, %dma_wait3A_57] : memref<5x80xi32, #tpu.memory_space<vmem>> -> memref<1x80xi32, #tpu.memory_space<vmem>>
    %dma_wait3A_59 = tpu.memref_squeeze %dma_wait3A_58 : memref<1x80xi32, #tpu.memory_space<vmem>> -> memref<80xi32, #tpu.memory_space<vmem>>
    %dma_wait3A_60 = arith.constant 0 : i32
    %dma_wait3A_61 = arith.constant 0 : i32
    %dma_wait3A_62 = tpu.memref_slice %arg2[%dma_wait3A_60, %dma_wait3A_61] : memref<100000x384xf32, #tpu.memory_space<hbm>> -> memref<100000x384xf32, #tpu.memory_space<hbm>>
    tpu.wait_indirect_dma semaphore(%arg7 : memref<!tpu.dma_semaphore, #tpu.memory_space<semaphore_mem>>) src(%dma_wait3A_62 : memref<100000x384xf32, #tpu.memory_space<hbm>>) dst(%arg6 : memref<80x384xf32, #tpu.memory_space<vmem>>)
    %add3A_63 = arith.constant 240 : i32
    %add3A_64 = arith.addi %mul3A_2, %add3A_63 : i32
    "tpu.region"() ({
      %run_scoped3A = tpu.sem_alloc : memref<!tpu.dma_semaphore, #tpu.memory_space<semaphore_mem>>
      %dma_start3A_81 = arith.constant 0 : i32
      %dma_start3A_82 = tpu.memref_slice %arg4[%add3A_64, %dma_start3A_81] : memref<12800x384xf32, #tpu.memory_space<hbm>> -> memref<80x384xf32, #tpu.memory_space<hbm>>
      %dma_start3A_83 = arith.constant 0 : i32
      %dma_start3A_84 = tpu.memref_slice %arg4[%add3A_64, %dma_start3A_83] : memref<12800x384xf32, #tpu.memory_space<hbm>> -> memref<80x384xf32, #tpu.memory_space<hbm>>
      tpu.enqueue_dma source(%arg6 : memref<80x384xf32, #tpu.memory_space<vmem>>) target(%dma_start3A_84 : memref<80x384xf32, #tpu.memory_space<hbm>>) target_semaphore(%run_scoped3A : memref<!tpu.dma_semaphore, #tpu.memory_space<semaphore_mem>>)
      %dma_wait3A_85 = arith.constant 0 : i32
      %dma_wait3A_86 = tpu.memref_slice %arg4[%add3A_64, %dma_wait3A_85] : memref<12800x384xf32, #tpu.memory_space<hbm>> -> memref<80x384xf32, #tpu.memory_space<hbm>>
      %dma_wait3A_87 = arith.constant 0 : i32
      %dma_wait3A_88 = tpu.memref_slice %arg4[%add3A_64, %dma_wait3A_87] : memref<12800x384xf32, #tpu.memory_space<hbm>> -> memref<80x384xf32, #tpu.memory_space<hbm>>
      tpu.wait_dma2 semaphore(%run_scoped3A : memref<!tpu.dma_semaphore, #tpu.memory_space<semaphore_mem>>) src(%arg6 : memref<80x384xf32, #tpu.memory_space<vmem>>) dst(%dma_wait3A_88 : memref<80x384xf32, #tpu.memory_space<hbm>>)
      tpu.yield
    }) : () -> ()
    %dma_start3A_65 = arith.constant 4 : i32
    %dma_start3A_66 = arith.constant 0 : i32
    %dma_start3A_67 = tpu.memref_slice %arg5[%dma_start3A_65, %dma_start3A_66] : memref<5x80xi32, #tpu.memory_space<vmem>> -> memref<1x80xi32, #tpu.memory_space<vmem>>
    %dma_start3A_68 = tpu.memref_squeeze %dma_start3A_67 : memref<1x80xi32, #tpu.memory_space<vmem>> -> memref<80xi32, #tpu.memory_space<vmem>>
    %dma_start3A_69 = arith.constant 0 : i32
    %dma_start3A_70 = arith.constant 0 : i32
    %dma_start3A_71 = tpu.memref_slice %arg2[%dma_start3A_69, %dma_start3A_70] : memref<100000x384xf32, #tpu.memory_space<hbm>> -> memref<100000x384xf32, #tpu.memory_space<hbm>>
    tpu.enqueue_indirect_dma source(%dma_start3A_71 : memref<100000x384xf32, #tpu.memory_space<hbm>>) target(%arg6 : memref<80x384xf32, #tpu.memory_space<vmem>>) offsets(%dma_start3A_68 : memref<80xi32, #tpu.memory_space<vmem>>) semaphore(%arg7 : memref<!tpu.dma_semaphore, #tpu.memory_space<semaphore_mem>>)
    %dma_wait3A_72 = arith.constant 4 : i32
    %dma_wait3A_73 = arith.constant 0 : i32
    %dma_wait3A_74 = tpu.memref_slice %arg5[%dma_wait3A_72, %dma_wait3A_73] : memref<5x80xi32, #tpu.memory_space<vmem>> -> memref<1x80xi32, #tpu.memory_space<vmem>>
    %dma_wait3A_75 = tpu.memref_squeeze %dma_wait3A_74 : memref<1x80xi32, #tpu.memory_space<vmem>> -> memref<80xi32, #tpu.memory_space<vmem>>
    %dma_wait3A_76 = arith.constant 0 : i32
    %dma_wait3A_77 = arith.constant 0 : i32
    %dma_wait3A_78 = tpu.memref_slice %arg2[%dma_wait3A_76, %dma_wait3A_77] : memref<100000x384xf32, #tpu.memory_space<hbm>> -> memref<100000x384xf32, #tpu.memory_space<hbm>>
    tpu.wait_indirect_dma semaphore(%arg7 : memref<!tpu.dma_semaphore, #tpu.memory_space<semaphore_mem>>) src(%dma_wait3A_78 : memref<100000x384xf32, #tpu.memory_space<hbm>>) dst(%arg6 : memref<80x384xf32, #tpu.memory_space<vmem>>)
    %add3A_79 = arith.constant 320 : i32
    %add3A_80 = arith.addi %mul3A_2, %add3A_79 : i32
    "tpu.region"() ({
      %run_scoped3A = tpu.sem_alloc : memref<!tpu.dma_semaphore, #tpu.memory_space<semaphore_mem>>
      %dma_start3A_81 = arith.constant 0 : i32
      %dma_start3A_82 = tpu.memref_slice %arg4[%add3A_80, %dma_start3A_81] : memref<12800x384xf32, #tpu.memory_space<hbm>> -> memref<80x384xf32, #tpu.memory_space<hbm>>
      %dma_start3A_83 = arith.constant 0 : i32
      %dma_start3A_84 = tpu.memref_slice %arg4[%add3A_80, %dma_start3A_83] : memref<12800x384xf32, #tpu.memory_space<hbm>> -> memref<80x384xf32, #tpu.memory_space<hbm>>
      tpu.enqueue_dma source(%arg6 : memref<80x384xf32, #tpu.memory_space<vmem>>) target(%dma_start3A_84 : memref<80x384xf32, #tpu.memory_space<hbm>>) target_semaphore(%run_scoped3A : memref<!tpu.dma_semaphore, #tpu.memory_space<semaphore_mem>>)
      %dma_wait3A_85 = arith.constant 0 : i32
      %dma_wait3A_86 = tpu.memref_slice %arg4[%add3A_80, %dma_wait3A_85] : memref<12800x384xf32, #tpu.memory_space<hbm>> -> memref<80x384xf32, #tpu.memory_space<hbm>>
      %dma_wait3A_87 = arith.constant 0 : i32
      %dma_wait3A_88 = tpu.memref_slice %arg4[%add3A_80, %dma_wait3A_87] : memref<12800x384xf32, #tpu.memory_space<hbm>> -> memref<80x384xf32, #tpu.memory_space<hbm>>
      tpu.wait_dma2 semaphore(%run_scoped3A : memref<!tpu.dma_semaphore, #tpu.memory_space<semaphore_mem>>) src(%arg6 : memref<80x384xf32, #tpu.memory_space<vmem>>) dst(%dma_wait3A_88 : memref<80x384xf32, #tpu.memory_space<hbm>>)
      tpu.yield
    }) : () -> ()
    return
  }
}

module attributes {stable_mosaic.version = 14 : i64} {
  func.func @_pad_table_body(%arg0: i32, %arg1: memref<4000x300xf32, #tpu.memory_space<vmem>>, %arg2: memref<4000x384xf32, #tpu.memory_space<vmem>>) attributes {dimension_semantics = [#tpu.dimension_semantics<arbitrary>], iteration_bounds = array<i64: 25>, scalar_prefetch = 0 : i64, scratch_operands = 0 : i64, tpu.core_type = #tpu.core_type<tc>, window_params = [{transform_indices = @transform_0, window_bounds = array<i64: 4000, 300>}, {transform_indices = @transform_1, window_bounds = array<i64: 4000, 384>}]} {
    %get3A = arith.constant 0 : index
    %get3A_0 = arith.constant 0 : index
    %get3A_1 = vector.load %arg1[%get3A, %get3A_0] : memref<4000x300xf32, #tpu.memory_space<vmem>>, vector<4000x300xf32>
    %broadcast_in_dim3A = arith.constant 0.000000e+00 : f32
    %broadcast_in_dim3A_2 = vector.broadcast %broadcast_in_dim3A : f32 to vector<4000x84xf32>
    %concatenate3A = tpu.concatenate %get3A_1, %broadcast_in_dim3A_2 in 1 : vector<4000x300xf32>, vector<4000x84xf32> -> vector<4000x384xf32>
    %swap3A = arith.constant 0 : index
    %swap3A_3 = arith.constant 0 : index
    %swap3A_4 = vector.load %arg2[%swap3A, %swap3A_3] : memref<4000x384xf32, #tpu.memory_space<vmem>>, vector<4000x384xf32>
    tpu.vector_store %arg2[%swap3A, %swap3A_3], %concatenate3A {strides = array<i32>} : memref<4000x384xf32, #tpu.memory_space<vmem>>, vector<4000x384xf32>,
    return
  }
  func.func @transform_0(%arg0: i32) -> (i32, i32) {
    %c0_i32 = arith.constant 0 : i32
    %c0_i32_0 = arith.constant 0 : i32
    return %arg0, %c0_i32 : i32, i32
  }
  func.func @transform_1(%arg0: i32) -> (i32, i32) {
    %c0_i32 = arith.constant 0 : i32
    %c0_i32_0 = arith.constant 0 : i32
    return %arg0, %c0_i32 : i32, i32
  }
}

module attributes {stable_mosaic.version = 14 : i64} {
  func.func @_input_matmul_body(%arg0: i32, %arg1: memref<512x384xf32, #tpu.memory_space<vmem>>, %arg2: memref<384x3072xbf16, #tpu.memory_space<vmem>>, %arg3: memref<1x3072xf32, #tpu.memory_space<vmem>>, %arg4: memref<512x3072xbf16, #tpu.memory_space<vmem>>) attributes {dimension_semantics = [#tpu.dimension_semantics<arbitrary>], iteration_bounds = array<i64: 25>, scalar_prefetch = 0 : i64, scratch_operands = 0 : i64, tpu.core_type = #tpu.core_type<tc>, window_params = [{transform_indices = @transform_0, window_bounds = array<i64: 512, 384>}, {pipeline_mode = #tpu.pipeline_mode<synchronous>, transform_indices = @transform_1, window_bounds = array<i64: 384, 3072>}, {pipeline_mode = #tpu.pipeline_mode<synchronous>, transform_indices = @transform_2, window_bounds = array<i64: 1, 3072>}, {transform_indices = @transform_3, window_bounds = array<i64: 512, 3072>}]} {
    %get3A = arith.constant 0 : index
    %get3A_0 = arith.constant 0 : index
    %get3A_1 = vector.load %arg1[%get3A, %get3A_0] : memref<512x384xf32, #tpu.memory_space<vmem>>, vector<512x384xf32>
    %convert_element_type3A = arith.truncf %get3A_1 : vector<512x384xf32> to vector<512x384xbf16>
    %get3A_2 = arith.constant 0 : index
    %get3A_3 = arith.constant 0 : index
    %get3A_4 = vector.load %arg2[%get3A_2, %get3A_3] : memref<384x3072xbf16, #tpu.memory_space<vmem>>, vector<384x3072xbf16>
    %dot_general3A = arith.constant dense<0.000000e+00> : vector<512x3072xf32>
    %dot_general3A_5 = tpu.matmul %convert_element_type3A, %get3A_4, %dot_general3A {dimension_numbers = #tpu.dot_dimension_numbers<[1], [0], [0], [1], [0, 0, 1, 1], [], []>, transpose_lhs_hint = false} : vector<512x384xbf16>, vector<384x3072xbf16>, vector<512x3072xf32> -> vector<512x3072xf32>
    %get3A_6 = arith.constant 0 : index
    %get3A_7 = arith.constant 0 : index
    %get3A_8 = vector.load %arg3[%get3A_6, %get3A_7] : memref<1x3072xf32, #tpu.memory_space<vmem>>, vector<1x3072xf32>
    %add3A = vector.broadcast %get3A_8 : vector<1x3072xf32> to vector<512x3072xf32>
    %add3A_9 = arith.addf %dot_general3A_5, %add3A : vector<512x3072xf32>
    %convert_element_type3A_10 = arith.truncf %add3A_9 : vector<512x3072xf32> to vector<512x3072xbf16>
    %swap3A = arith.constant 0 : index
    %swap3A_11 = arith.constant 0 : index
    %swap3A_12 = vector.load %arg4[%swap3A, %swap3A_11] : memref<512x3072xbf16, #tpu.memory_space<vmem>>, vector<512x3072xbf16>
    tpu.vector_store %arg4[%swap3A, %swap3A_11], %convert_element_type3A_10 {strides = array<i32>} : memref<512x3072xbf16, #tpu.memory_space<vmem>>, vector<512x3072xbf16>,
    return
  }
  func.func @transform_0(%arg0: i32) -> (i32, i32) {
    %c0_i32 = arith.constant 0 : i32
    %c0_i32_0 = arith.constant 0 : i32
    return %arg0, %c0_i32 : i32, i32
  }
  func.func @transform_1(%arg0: i32) -> (i32, i32) {
    %c0_i32 = arith.constant 0 : i32
    %c0_i32_0 = arith.constant 0 : i32
    %c0_i32_1 = arith.constant 0 : i32
    return %c0_i32, %c0_i32_0 : i32, i32
  }
  func.func @transform_2(%arg0: i32) -> (i32, i32) {
    %c0_i32 = arith.constant 0 : i32
    %c0_i32_0 = arith.constant 0 : i32
    %c0_i32_1 = arith.constant 0 : i32
    return %c0_i32, %c0_i32_0 : i32, i32
  }
  func.func @transform_3(%arg0: i32) -> (i32, i32) {
    %c0_i32 = arith.constant 0 : i32
    %c0_i32_0 = arith.constant 0 : i32
    return %arg0, %c0_i32 : i32, i32
  }
}

module attributes {stable_mosaic.version = 14 : i64} {
  func.func @_gru_scan_body(%arg0: i32, %arg1: memref<8x64x1536xbf16, #tpu.memory_space<vmem>>, %arg2: memref<8x64x1536xbf16, #tpu.memory_space<vmem>>, %arg3: memref<512x1536xbf16, #tpu.memory_space<vmem>>, %arg4: memref<512x1536xbf16, #tpu.memory_space<vmem>>, %arg5: memref<1x512xf32, #tpu.memory_space<vmem>>, %arg6: memref<1x512xf32, #tpu.memory_space<vmem>>, %arg7: memref<1x1024xf32, #tpu.memory_space<vmem>>, %arg8: memref<1x1xf32, #tpu.memory_space<vmem>>, %arg9: memref<64x1xf32, #tpu.memory_space<vmem>>, %arg10: memref<64x512xf32, #tpu.memory_space<vmem>>, %arg11: memref<64x512xf32, #tpu.memory_space<vmem>>) attributes {dimension_semantics = [#tpu.dimension_semantics<arbitrary>], iteration_bounds = array<i64: 25>, scalar_prefetch = 0 : i64, scratch_operands = 2 : i64, tpu.core_type = #tpu.core_type<tc>, window_params = [{transform_indices = @transform_0, window_bounds = array<i64: 8, 64, 1536>}, {transform_indices = @transform_1, window_bounds = array<i64: 8, 64, 1536>}, {pipeline_mode = #tpu.pipeline_mode<synchronous>, transform_indices = @transform_2, window_bounds = array<i64: 512, 1536>}, {pipeline_mode = #tpu.pipeline_mode<synchronous>, transform_indices = @transform_3, window_bounds = array<i64: 512, 1536>}, {pipeline_mode = #tpu.pipeline_mode<synchronous>, transform_indices = @transform_4, window_bounds = array<i64: 1, 512>}, {pipeline_mode = #tpu.pipeline_mode<synchronous>, transform_indices = @transform_5, window_bounds = array<i64: 1, 512>}, {pipeline_mode = #tpu.pipeline_mode<synchronous>, transform_indices = @transform_6, window_bounds = array<i64: 1, 1024>}, {pipeline_mode = #tpu.pipeline_mode<synchronous>, transform_indices = @transform_7, window_bounds = array<i64: 1, 1>}, {pipeline_mode = #tpu.pipeline_mode<synchronous>, transform_indices = @transform_8, window_bounds = array<i64: 64, 1>}]} {
    %eq3A = arith.constant 0 : i32
    %eq3A_0 = arith.cmpi eq, %arg0, %eq3A : i32
    %convert_element_type3A = arith.extui %eq3A_0 : i1 to i32
    %cond3A = arith.constant 0 : i32
    %cond3A_1 = arith.cmpi ne, %convert_element_type3A, %cond3A : i32
    scf.if %cond3A_1 {
      %broadcast_in_dim3A = arith.constant 0.000000e+00 : f32
      %broadcast_in_dim3A_746 = vector.broadcast %broadcast_in_dim3A : f32 to vector<64x512xf32>
      %swap3A_747 = arith.constant 0 : index
      %swap3A_748 = arith.constant 0 : index
      %swap3A_749 = vector.load %arg10[%swap3A_747, %swap3A_748] : memref<64x512xf32, #tpu.memory_space<vmem>>, vector<64x512xf32>
      tpu.vector_store %arg10[%swap3A_747, %swap3A_748], %broadcast_in_dim3A_746 {strides = array<i32>} : memref<64x512xf32, #tpu.memory_space<vmem>>, vector<64x512xf32>,
      %broadcast_in_dim3A_750 = arith.constant 0.000000e+00 : f32
      %broadcast_in_dim3A_751 = vector.broadcast %broadcast_in_dim3A_750 : f32 to vector<64x512xf32>
      %swap3A_752 = arith.constant 0 : index
      %swap3A_753 = arith.constant 0 : index
      %swap3A_754 = vector.load %arg11[%swap3A_752, %swap3A_753] : memref<64x512xf32, #tpu.memory_space<vmem>>, vector<64x512xf32>
      tpu.vector_store %arg11[%swap3A_752, %swap3A_753], %broadcast_in_dim3A_751 {strides = array<i32>} : memref<64x512xf32, #tpu.memory_space<vmem>>, vector<64x512xf32>,
    } else {
    }
    %get3A = arith.constant 0 : index
    %get3A_2 = arith.constant 0 : index
    %get3A_3 = vector.load %arg10[%get3A, %get3A_2] : memref<64x512xf32, #tpu.memory_space<vmem>>, vector<64x512xf32>
    %get3A_4 = arith.constant 0 : index
    %get3A_5 = arith.constant 0 : index
    %get3A_6 = vector.load %arg11[%get3A_4, %get3A_5] : memref<64x512xf32, #tpu.memory_space<vmem>>, vector<64x512xf32>
    %get3A_7 = arith.constant 0 : index
    %get3A_8 = arith.constant 0 : index
    %get3A_9 = arith.constant 0 : index
    %get3A_10 = vector.load %arg1[%get3A_7, %get3A_8, %get3A_9] : memref<8x64x1536xbf16, #tpu.memory_space<vmem>>, vector<1x64x1536xbf16>
    %get3A_11 = vector.shape_cast %get3A_10 : vector<1x64x1536xbf16> to vector<64x1536xbf16>
    %get3A_12 = arith.constant 7 : index
    %get3A_13 = arith.constant 0 : index
    %get3A_14 = arith.constant 0 : index
    %get3A_15 = vector.load %arg2[%get3A_12, %get3A_13, %get3A_14] : memref<8x64x1536xbf16, #tpu.memory_space<vmem>>, vector<1x64x1536xbf16>
    %get3A_16 = vector.shape_cast %get3A_15 : vector<1x64x1536xbf16> to vector<64x1536xbf16>
    %convert_element_type3A_17 = arith.truncf %get3A_3 : vector<64x512xf32> to vector<64x512xbf16>
    %get3A_18 = arith.constant 0 : index
    %get3A_19 = arith.constant 0 : index
    %get3A_20 = vector.load %arg3[%get3A_18, %get3A_19] : memref<512x1536xbf16, #tpu.memory_space<vmem>>, vector<512x1536xbf16>
    %dot_general3A = arith.constant dense<0.000000e+00> : vector<64x1536xf32>
    %dot_general3A_21 = tpu.matmul %convert_element_type3A_17, %get3A_20, %dot_general3A {dimension_numbers = #tpu.dot_dimension_numbers<[1], [0], [0], [1], [0, 0, 1, 1], [], []>, transpose_lhs_hint = false} : vector<64x512xbf16>, vector<512x1536xbf16>, vector<64x1536xf32> -> vector<64x1536xf32>
    %convert_element_type3A_22 = arith.truncf %get3A_6 : vector<64x512xf32> to vector<64x512xbf16>
    %get3A_23 = arith.constant 0 : index
    %get3A_24 = arith.constant 0 : index
    %get3A_25 = vector.load %arg4[%get3A_23, %get3A_24] : memref<512x1536xbf16, #tpu.memory_space<vmem>>, vector<512x1536xbf16>
    %dot_general3A_26 = arith.constant dense<0.000000e+00> : vector<64x1536xf32>
    %dot_general3A_27 = tpu.matmul %convert_element_type3A_22, %get3A_25, %dot_general3A_26 {dimension_numbers = #tpu.dot_dimension_numbers<[1], [0], [0], [1], [0, 0, 1, 1], [], []>, transpose_lhs_hint = false} : vector<64x512xbf16>, vector<512x1536xbf16>, vector<64x1536xf32> -> vector<64x1536xf32>
    %convert_element_type3A_28 = arith.extf %get3A_11 : vector<64x1536xbf16> to vector<64x1536xf32>
    %slice3A = vector.extract_strided_slice %convert_element_type3A_28 {offsets = [0, 0], sizes = [64, 512], strides = [1, 1]} : vector<64x1536xf32> to vector<64x512xf32>
    %slice3A_29 = vector.extract_strided_slice %dot_general3A_21 {offsets = [0, 0], sizes = [64, 512], strides = [1, 1]} : vector<64x1536xf32> to vector<64x512xf32>
    %add3A = arith.addf %slice3A, %slice3A_29 : vector<64x512xf32>
    %logistic3A = arith.negf %add3A : vector<64x512xf32>
    %logistic3A_30 = math.exp %logistic3A : vector<64x512xf32>
    %logistic3A_31 = arith.constant 1.000000e+00 : f32
    %logistic3A_32 = vector.broadcast %logistic3A_31 : f32 to vector<64x512xf32>
    %logistic3A_33 = arith.addf %logistic3A_32, %logistic3A_30 : vector<64x512xf32>
    %logistic3A_34 = arith.divf %logistic3A_32, %logistic3A_33 : vector<64x512xf32>
    %slice3A_35 = vector.extract_strided_slice %convert_element_type3A_28 {offsets = [0, 512], sizes = [64, 512], strides = [1, 1]} : vector<64x1536xf32> to vector<64x512xf32>
    %slice3A_36 = vector.extract_strided_slice %dot_general3A_21 {offsets = [0, 512], sizes = [64, 512], strides = [1, 1]} : vector<64x1536xf32> to vector<64x512xf32>
    %add3A_37 = arith.addf %slice3A_35, %slice3A_36 : vector<64x512xf32>
    %logistic3A_38 = arith.negf %add3A_37 : vector<64x512xf32>
    %logistic3A_39 = math.exp %logistic3A_38 : vector<64x512xf32>
    %logistic3A_40 = arith.constant 1.000000e+00 : f32
    %logistic3A_41 = vector.broadcast %logistic3A_40 : f32 to vector<64x512xf32>
    %logistic3A_42 = arith.addf %logistic3A_41, %logistic3A_39 : vector<64x512xf32>
    %logistic3A_43 = arith.divf %logistic3A_41, %logistic3A_42 : vector<64x512xf32>
    %slice3A_44 = vector.extract_strided_slice %convert_element_type3A_28 {offsets = [0, 1024], sizes = [64, 512], strides = [1, 1]} : vector<64x1536xf32> to vector<64x512xf32>
    %slice3A_45 = vector.extract_strided_slice %dot_general3A_21 {offsets = [0, 1024], sizes = [64, 512], strides = [1, 1]} : vector<64x1536xf32> to vector<64x512xf32>
    %get3A_46 = arith.constant 0 : index
    %get3A_47 = arith.constant 0 : index
    %get3A_48 = vector.load %arg5[%get3A_46, %get3A_47] : memref<1x512xf32, #tpu.memory_space<vmem>>, vector<1x512xf32>
    %add3A_49 = vector.broadcast %get3A_48 : vector<1x512xf32> to vector<64x512xf32>
    %add3A_50 = arith.addf %slice3A_45, %add3A_49 : vector<64x512xf32>
    %mul3A = arith.mulf %logistic3A_34, %add3A_50 : vector<64x512xf32>
    %add3A_51 = arith.addf %slice3A_44, %mul3A : vector<64x512xf32>
    %tanh3A = math.tanh %add3A_51 : vector<64x512xf32>
    %sub3A = arith.constant 1.000000e+00 : f32
    %sub3A_52 = vector.broadcast %sub3A : f32 to vector<64x512xf32>
    %sub3A_53 = arith.subf %sub3A_52, %logistic3A_43 : vector<64x512xf32>
    %mul3A_54 = arith.mulf %sub3A_53, %tanh3A : vector<64x512xf32>
    %mul3A_55 = arith.mulf %logistic3A_43, %get3A_3 : vector<64x512xf32>
    %add3A_56 = arith.addf %mul3A_54, %mul3A_55 : vector<64x512xf32>
    %convert_element_type3A_57 = arith.extf %get3A_16 : vector<64x1536xbf16> to vector<64x1536xf32>
    %slice3A_58 = vector.extract_strided_slice %convert_element_type3A_57 {offsets = [0, 0], sizes = [64, 512], strides = [1, 1]} : vector<64x1536xf32> to vector<64x512xf32>
    %slice3A_59 = vector.extract_strided_slice %dot_general3A_27 {offsets = [0, 0], sizes = [64, 512], strides = [1, 1]} : vector<64x1536xf32> to vector<64x512xf32>
    %add3A_60 = arith.addf %slice3A_58, %slice3A_59 : vector<64x512xf32>
    %logistic3A_61 = arith.negf %add3A_60 : vector<64x512xf32>
    %logistic3A_62 = math.exp %logistic3A_61 : vector<64x512xf32>
    %logistic3A_63 = arith.constant 1.000000e+00 : f32
    %logistic3A_64 = vector.broadcast %logistic3A_63 : f32 to vector<64x512xf32>
    %logistic3A_65 = arith.addf %logistic3A_64, %logistic3A_62 : vector<64x512xf32>
    %logistic3A_66 = arith.divf %logistic3A_64, %logistic3A_65 : vector<64x512xf32>
    %slice3A_67 = vector.extract_strided_slice %convert_element_type3A_57 {offsets = [0, 512], sizes = [64, 512], strides = [1, 1]} : vector<64x1536xf32> to vector<64x512xf32>
    %slice3A_68 = vector.extract_strided_slice %dot_general3A_27 {offsets = [0, 512], sizes = [64, 512], strides = [1, 1]} : vector<64x1536xf32> to vector<64x512xf32>
    %add3A_69 = arith.addf %slice3A_67, %slice3A_68 : vector<64x512xf32>
    %logistic3A_70 = arith.negf %add3A_69 : vector<64x512xf32>
    %logistic3A_71 = math.exp %logistic3A_70 : vector<64x512xf32>
    %logistic3A_72 = arith.constant 1.000000e+00 : f32
    %logistic3A_73 = vector.broadcast %logistic3A_72 : f32 to vector<64x512xf32>
    %logistic3A_74 = arith.addf %logistic3A_73, %logistic3A_71 : vector<64x512xf32>
    %logistic3A_75 = arith.divf %logistic3A_73, %logistic3A_74 : vector<64x512xf32>
    %slice3A_76 = vector.extract_strided_slice %convert_element_type3A_57 {offsets = [0, 1024], sizes = [64, 512], strides = [1, 1]} : vector<64x1536xf32> to vector<64x512xf32>
    %slice3A_77 = vector.extract_strided_slice %dot_general3A_27 {offsets = [0, 1024], sizes = [64, 512], strides = [1, 1]} : vector<64x1536xf32> to vector<64x512xf32>
    %get3A_78 = arith.constant 0 : index
    %get3A_79 = arith.constant 0 : index
    %get3A_80 = vector.load %arg6[%get3A_78, %get3A_79] : memref<1x512xf32, #tpu.memory_space<vmem>>, vector<1x512xf32>
    %add3A_81 = vector.broadcast %get3A_80 : vector<1x512xf32> to vector<64x512xf32>
    %add3A_82 = arith.addf %slice3A_77, %add3A_81 : vector<64x512xf32>
    %mul3A_83 = arith.mulf %logistic3A_66, %add3A_82 : vector<64x512xf32>
    %add3A_84 = arith.addf %slice3A_76, %mul3A_83 : vector<64x512xf32>
    %tanh3A_85 = math.tanh %add3A_84 : vector<64x512xf32>
    %sub3A_86 = arith.constant 1.000000e+00 : f32
    %sub3A_87 = vector.broadcast %sub3A_86 : f32 to vector<64x512xf32>
    %sub3A_88 = arith.subf %sub3A_87, %logistic3A_75 : vector<64x512xf32>
    %mul3A_89 = arith.mulf %sub3A_88, %tanh3A_85 : vector<64x512xf32>
    %mul3A_90 = arith.mulf %logistic3A_75, %get3A_6 : vector<64x512xf32>
    %add3A_91 = arith.addf %mul3A_89, %mul3A_90 : vector<64x512xf32>
    %get3A_92 = arith.constant 1 : index
    %get3A_93 = arith.constant 0 : index
    %get3A_94 = arith.constant 0 : index
    %get3A_95 = vector.load %arg1[%get3A_92, %get3A_93, %get3A_94] : memref<8x64x1536xbf16, #tpu.memory_space<vmem>>, vector<1x64x1536xbf16>
    %get3A_96 = vector.shape_cast %get3A_95 : vector<1x64x1536xbf16> to vector<64x1536xbf16>
    %get3A_97 = arith.constant 6 : index
    %get3A_98 = arith.constant 0 : index
    %get3A_99 = arith.constant 0 : index
    %get3A_100 = vector.load %arg2[%get3A_97, %get3A_98, %get3A_99] : memref<8x64x1536xbf16, #tpu.memory_space<vmem>>, vector<1x64x1536xbf16>
    %get3A_101 = vector.shape_cast %get3A_100 : vector<1x64x1536xbf16> to vector<64x1536xbf16>
    %convert_element_type3A_102 = arith.truncf %add3A_56 : vector<64x512xf32> to vector<64x512xbf16>
    %get3A_103 = arith.constant 0 : index
    %get3A_104 = arith.constant 0 : index
    %get3A_105 = vector.load %arg3[%get3A_103, %get3A_104] : memref<512x1536xbf16, #tpu.memory_space<vmem>>, vector<512x1536xbf16>
    %dot_general3A_106 = arith.constant dense<0.000000e+00> : vector<64x1536xf32>
    %dot_general3A_107 = tpu.matmul %convert_element_type3A_102, %get3A_105, %dot_general3A_106 {dimension_numbers = #tpu.dot_dimension_numbers<[1], [0], [0], [1], [0, 0, 1, 1], [], []>, transpose_lhs_hint = false} : vector<64x512xbf16>, vector<512x1536xbf16>, vector<64x1536xf32> -> vector<64x1536xf32>
    %convert_element_type3A_108 = arith.truncf %add3A_91 : vector<64x512xf32> to vector<64x512xbf16>
    %get3A_109 = arith.constant 0 : index
    %get3A_110 = arith.constant 0 : index
    %get3A_111 = vector.load %arg4[%get3A_109, %get3A_110] : memref<512x1536xbf16, #tpu.memory_space<vmem>>, vector<512x1536xbf16>
    %dot_general3A_112 = arith.constant dense<0.000000e+00> : vector<64x1536xf32>
    %dot_general3A_113 = tpu.matmul %convert_element_type3A_108, %get3A_111, %dot_general3A_112 {dimension_numbers = #tpu.dot_dimension_numbers<[1], [0], [0], [1], [0, 0, 1, 1], [], []>, transpose_lhs_hint = false} : vector<64x512xbf16>, vector<512x1536xbf16>, vector<64x1536xf32> -> vector<64x1536xf32>
    %convert_element_type3A_114 = arith.extf %get3A_96 : vector<64x1536xbf16> to vector<64x1536xf32>
    %slice3A_115 = vector.extract_strided_slice %convert_element_type3A_114 {offsets = [0, 0], sizes = [64, 512], strides = [1, 1]} : vector<64x1536xf32> to vector<64x512xf32>
    %slice3A_116 = vector.extract_strided_slice %dot_general3A_107 {offsets = [0, 0], sizes = [64, 512], strides = [1, 1]} : vector<64x1536xf32> to vector<64x512xf32>
    %add3A_117 = arith.addf %slice3A_115, %slice3A_116 : vector<64x512xf32>
    %logistic3A_118 = arith.negf %add3A_117 : vector<64x512xf32>
    %logistic3A_119 = math.exp %logistic3A_118 : vector<64x512xf32>
    %logistic3A_120 = arith.constant 1.000000e+00 : f32
    %logistic3A_121 = vector.broadcast %logistic3A_120 : f32 to vector<64x512xf32>
    %logistic3A_122 = arith.addf %logistic3A_121, %logistic3A_119 : vector<64x512xf32>
    %logistic3A_123 = arith.divf %logistic3A_121, %logistic3A_122 : vector<64x512xf32>
    %slice3A_124 = vector.extract_strided_slice %convert_element_type3A_114 {offsets = [0, 512], sizes = [64, 512], strides = [1, 1]} : vector<64x1536xf32> to vector<64x512xf32>
    %slice3A_125 = vector.extract_strided_slice %dot_general3A_107 {offsets = [0, 512], sizes = [64, 512], strides = [1, 1]} : vector<64x1536xf32> to vector<64x512xf32>
    %add3A_126 = arith.addf %slice3A_124, %slice3A_125 : vector<64x512xf32>
    %logistic3A_127 = arith.negf %add3A_126 : vector<64x512xf32>
    %logistic3A_128 = math.exp %logistic3A_127 : vector<64x512xf32>
    %logistic3A_129 = arith.constant 1.000000e+00 : f32
    %logistic3A_130 = vector.broadcast %logistic3A_129 : f32 to vector<64x512xf32>
    %logistic3A_131 = arith.addf %logistic3A_130, %logistic3A_128 : vector<64x512xf32>
    %logistic3A_132 = arith.divf %logistic3A_130, %logistic3A_131 : vector<64x512xf32>
    %slice3A_133 = vector.extract_strided_slice %convert_element_type3A_114 {offsets = [0, 1024], sizes = [64, 512], strides = [1, 1]} : vector<64x1536xf32> to vector<64x512xf32>
    %slice3A_134 = vector.extract_strided_slice %dot_general3A_107 {offsets = [0, 1024], sizes = [64, 512], strides = [1, 1]} : vector<64x1536xf32> to vector<64x512xf32>
    %get3A_135 = arith.constant 0 : index
    %get3A_136 = arith.constant 0 : index
    %get3A_137 = vector.load %arg5[%get3A_135, %get3A_136] : memref<1x512xf32, #tpu.memory_space<vmem>>, vector<1x512xf32>
    %add3A_138 = vector.broadcast %get3A_137 : vector<1x512xf32> to vector<64x512xf32>
    %add3A_139 = arith.addf %slice3A_134, %add3A_138 : vector<64x512xf32>
    %mul3A_140 = arith.mulf %logistic3A_123, %add3A_139 : vector<64x512xf32>
    %add3A_141 = arith.addf %slice3A_133, %mul3A_140 : vector<64x512xf32>
    %tanh3A_142 = math.tanh %add3A_141 : vector<64x512xf32>
    %sub3A_143 = arith.constant 1.000000e+00 : f32
    %sub3A_144 = vector.broadcast %sub3A_143 : f32 to vector<64x512xf32>
    %sub3A_145 = arith.subf %sub3A_144, %logistic3A_132 : vector<64x512xf32>
    %mul3A_146 = arith.mulf %sub3A_145, %tanh3A_142 : vector<64x512xf32>
    %mul3A_147 = arith.mulf %logistic3A_132, %add3A_56 : vector<64x512xf32>
    %add3A_148 = arith.addf %mul3A_146, %mul3A_147 : vector<64x512xf32>
    %convert_element_type3A_149 = arith.extf %get3A_101 : vector<64x1536xbf16> to vector<64x1536xf32>
    %slice3A_150 = vector.extract_strided_slice %convert_element_type3A_149 {offsets = [0, 0], sizes = [64, 512], strides = [1, 1]} : vector<64x1536xf32> to vector<64x512xf32>
    %slice3A_151 = vector.extract_strided_slice %dot_general3A_113 {offsets = [0, 0], sizes = [64, 512], strides = [1, 1]} : vector<64x1536xf32> to vector<64x512xf32>
    %add3A_152 = arith.addf %slice3A_150, %slice3A_151 : vector<64x512xf32>
    %logistic3A_153 = arith.negf %add3A_152 : vector<64x512xf32>
    %logistic3A_154 = math.exp %logistic3A_153 : vector<64x512xf32>
    %logistic3A_155 = arith.constant 1.000000e+00 : f32
    %logistic3A_156 = vector.broadcast %logistic3A_155 : f32 to vector<64x512xf32>
    %logistic3A_157 = arith.addf %logistic3A_156, %logistic3A_154 : vector<64x512xf32>
    %logistic3A_158 = arith.divf %logistic3A_156, %logistic3A_157 : vector<64x512xf32>
    %slice3A_159 = vector.extract_strided_slice %convert_element_type3A_149 {offsets = [0, 512], sizes = [64, 512], strides = [1, 1]} : vector<64x1536xf32> to vector<64x512xf32>
    %slice3A_160 = vector.extract_strided_slice %dot_general3A_113 {offsets = [0, 512], sizes = [64, 512], strides = [1, 1]} : vector<64x1536xf32> to vector<64x512xf32>
    %add3A_161 = arith.addf %slice3A_159, %slice3A_160 : vector<64x512xf32>
    %logistic3A_162 = arith.negf %add3A_161 : vector<64x512xf32>
    %logistic3A_163 = math.exp %logistic3A_162 : vector<64x512xf32>
    %logistic3A_164 = arith.constant 1.000000e+00 : f32
    %logistic3A_165 = vector.broadcast %logistic3A_164 : f32 to vector<64x512xf32>
    %logistic3A_166 = arith.addf %logistic3A_165, %logistic3A_163 : vector<64x512xf32>
    %logistic3A_167 = arith.divf %logistic3A_165, %logistic3A_166 : vector<64x512xf32>
    %slice3A_168 = vector.extract_strided_slice %convert_element_type3A_149 {offsets = [0, 1024], sizes = [64, 512], strides = [1, 1]} : vector<64x1536xf32> to vector<64x512xf32>
    %slice3A_169 = vector.extract_strided_slice %dot_general3A_113 {offsets = [0, 1024], sizes = [64, 512], strides = [1, 1]} : vector<64x1536xf32> to vector<64x512xf32>
    %get3A_170 = arith.constant 0 : index
    %get3A_171 = arith.constant 0 : index
    %get3A_172 = vector.load %arg6[%get3A_170, %get3A_171] : memref<1x512xf32, #tpu.memory_space<vmem>>, vector<1x512xf32>
    %add3A_173 = vector.broadcast %get3A_172 : vector<1x512xf32> to vector<64x512xf32>
    %add3A_174 = arith.addf %slice3A_169, %add3A_173 : vector<64x512xf32>
    %mul3A_175 = arith.mulf %logistic3A_158, %add3A_174 : vector<64x512xf32>
    %add3A_176 = arith.addf %slice3A_168, %mul3A_175 : vector<64x512xf32>
    %tanh3A_177 = math.tanh %add3A_176 : vector<64x512xf32>
    %sub3A_178 = arith.constant 1.000000e+00 : f32
    %sub3A_179 = vector.broadcast %sub3A_178 : f32 to vector<64x512xf32>
    %sub3A_180 = arith.subf %sub3A_179, %logistic3A_167 : vector<64x512xf32>
    %mul3A_181 = arith.mulf %sub3A_180, %tanh3A_177 : vector<64x512xf32>
    %mul3A_182 = arith.mulf %logistic3A_167, %add3A_91 : vector<64x512xf32>
    %add3A_183 = arith.addf %mul3A_181, %mul3A_182 : vector<64x512xf32>
    %get3A_184 = arith.constant 2 : index
    %get3A_185 = arith.constant 0 : index
    %get3A_186 = arith.constant 0 : index
    %get3A_187 = vector.load %arg1[%get3A_184, %get3A_185, %get3A_186] : memref<8x64x1536xbf16, #tpu.memory_space<vmem>>, vector<1x64x1536xbf16>
    %get3A_188 = vector.shape_cast %get3A_187 : vector<1x64x1536xbf16> to vector<64x1536xbf16>
    %get3A_189 = arith.constant 5 : index
    %get3A_190 = arith.constant 0 : index
    %get3A_191 = arith.constant 0 : index
    %get3A_192 = vector.load %arg2[%get3A_189, %get3A_190, %get3A_191] : memref<8x64x1536xbf16, #tpu.memory_space<vmem>>, vector<1x64x1536xbf16>
    %get3A_193 = vector.shape_cast %get3A_192 : vector<1x64x1536xbf16> to vector<64x1536xbf16>
    %convert_element_type3A_194 = arith.truncf %add3A_148 : vector<64x512xf32> to vector<64x512xbf16>
    %get3A_195 = arith.constant 0 : index
    %get3A_196 = arith.constant 0 : index
    %get3A_197 = vector.load %arg3[%get3A_195, %get3A_196] : memref<512x1536xbf16, #tpu.memory_space<vmem>>, vector<512x1536xbf16>
    %dot_general3A_198 = arith.constant dense<0.000000e+00> : vector<64x1536xf32>
    %dot_general3A_199 = tpu.matmul %convert_element_type3A_194, %get3A_197, %dot_general3A_198 {dimension_numbers = #tpu.dot_dimension_numbers<[1], [0], [0], [1], [0, 0, 1, 1], [], []>, transpose_lhs_hint = false} : vector<64x512xbf16>, vector<512x1536xbf16>, vector<64x1536xf32> -> vector<64x1536xf32>
    %convert_element_type3A_200 = arith.truncf %add3A_183 : vector<64x512xf32> to vector<64x512xbf16>
    %get3A_201 = arith.constant 0 : index
    %get3A_202 = arith.constant 0 : index
    %get3A_203 = vector.load %arg4[%get3A_201, %get3A_202] : memref<512x1536xbf16, #tpu.memory_space<vmem>>, vector<512x1536xbf16>
    %dot_general3A_204 = arith.constant dense<0.000000e+00> : vector<64x1536xf32>
    %dot_general3A_205 = tpu.matmul %convert_element_type3A_200, %get3A_203, %dot_general3A_204 {dimension_numbers = #tpu.dot_dimension_numbers<[1], [0], [0], [1], [0, 0, 1, 1], [], []>, transpose_lhs_hint = false} : vector<64x512xbf16>, vector<512x1536xbf16>, vector<64x1536xf32> -> vector<64x1536xf32>
    %convert_element_type3A_206 = arith.extf %get3A_188 : vector<64x1536xbf16> to vector<64x1536xf32>
    %slice3A_207 = vector.extract_strided_slice %convert_element_type3A_206 {offsets = [0, 0], sizes = [64, 512], strides = [1, 1]} : vector<64x1536xf32> to vector<64x512xf32>
    %slice3A_208 = vector.extract_strided_slice %dot_general3A_199 {offsets = [0, 0], sizes = [64, 512], strides = [1, 1]} : vector<64x1536xf32> to vector<64x512xf32>
    %add3A_209 = arith.addf %slice3A_207, %slice3A_208 : vector<64x512xf32>
    %logistic3A_210 = arith.negf %add3A_209 : vector<64x512xf32>
    %logistic3A_211 = math.exp %logistic3A_210 : vector<64x512xf32>
    %logistic3A_212 = arith.constant 1.000000e+00 : f32
    %logistic3A_213 = vector.broadcast %logistic3A_212 : f32 to vector<64x512xf32>
    %logistic3A_214 = arith.addf %logistic3A_213, %logistic3A_211 : vector<64x512xf32>
    %logistic3A_215 = arith.divf %logistic3A_213, %logistic3A_214 : vector<64x512xf32>
    %slice3A_216 = vector.extract_strided_slice %convert_element_type3A_206 {offsets = [0, 512], sizes = [64, 512], strides = [1, 1]} : vector<64x1536xf32> to vector<64x512xf32>
    %slice3A_217 = vector.extract_strided_slice %dot_general3A_199 {offsets = [0, 512], sizes = [64, 512], strides = [1, 1]} : vector<64x1536xf32> to vector<64x512xf32>
    %add3A_218 = arith.addf %slice3A_216, %slice3A_217 : vector<64x512xf32>
    %logistic3A_219 = arith.negf %add3A_218 : vector<64x512xf32>
    %logistic3A_220 = math.exp %logistic3A_219 : vector<64x512xf32>
    %logistic3A_221 = arith.constant 1.000000e+00 : f32
    %logistic3A_222 = vector.broadcast %logistic3A_221 : f32 to vector<64x512xf32>
    %logistic3A_223 = arith.addf %logistic3A_222, %logistic3A_220 : vector<64x512xf32>
    %logistic3A_224 = arith.divf %logistic3A_222, %logistic3A_223 : vector<64x512xf32>
    %slice3A_225 = vector.extract_strided_slice %convert_element_type3A_206 {offsets = [0, 1024], sizes = [64, 512], strides = [1, 1]} : vector<64x1536xf32> to vector<64x512xf32>
    %slice3A_226 = vector.extract_strided_slice %dot_general3A_199 {offsets = [0, 1024], sizes = [64, 512], strides = [1, 1]} : vector<64x1536xf32> to vector<64x512xf32>
    %get3A_227 = arith.constant 0 : index
    %get3A_228 = arith.constant 0 : index
    %get3A_229 = vector.load %arg5[%get3A_227, %get3A_228] : memref<1x512xf32, #tpu.memory_space<vmem>>, vector<1x512xf32>
    %add3A_230 = vector.broadcast %get3A_229 : vector<1x512xf32> to vector<64x512xf32>
    %add3A_231 = arith.addf %slice3A_226, %add3A_230 : vector<64x512xf32>
    %mul3A_232 = arith.mulf %logistic3A_215, %add3A_231 : vector<64x512xf32>
    %add3A_233 = arith.addf %slice3A_225, %mul3A_232 : vector<64x512xf32>
    %tanh3A_234 = math.tanh %add3A_233 : vector<64x512xf32>
    %sub3A_235 = arith.constant 1.000000e+00 : f32
    %sub3A_236 = vector.broadcast %sub3A_235 : f32 to vector<64x512xf32>
    %sub3A_237 = arith.subf %sub3A_236, %logistic3A_224 : vector<64x512xf32>
    %mul3A_238 = arith.mulf %sub3A_237, %tanh3A_234 : vector<64x512xf32>
    %mul3A_239 = arith.mulf %logistic3A_224, %add3A_148 : vector<64x512xf32>
    %add3A_240 = arith.addf %mul3A_238, %mul3A_239 : vector<64x512xf32>
    %convert_element_type3A_241 = arith.extf %get3A_193 : vector<64x1536xbf16> to vector<64x1536xf32>
    %slice3A_242 = vector.extract_strided_slice %convert_element_type3A_241 {offsets = [0, 0], sizes = [64, 512], strides = [1, 1]} : vector<64x1536xf32> to vector<64x512xf32>
    %slice3A_243 = vector.extract_strided_slice %dot_general3A_205 {offsets = [0, 0], sizes = [64, 512], strides = [1, 1]} : vector<64x1536xf32> to vector<64x512xf32>
    %add3A_244 = arith.addf %slice3A_242, %slice3A_243 : vector<64x512xf32>
    %logistic3A_245 = arith.negf %add3A_244 : vector<64x512xf32>
    %logistic3A_246 = math.exp %logistic3A_245 : vector<64x512xf32>
    %logistic3A_247 = arith.constant 1.000000e+00 : f32
    %logistic3A_248 = vector.broadcast %logistic3A_247 : f32 to vector<64x512xf32>
    %logistic3A_249 = arith.addf %logistic3A_248, %logistic3A_246 : vector<64x512xf32>
    %logistic3A_250 = arith.divf %logistic3A_248, %logistic3A_249 : vector<64x512xf32>
    %slice3A_251 = vector.extract_strided_slice %convert_element_type3A_241 {offsets = [0, 512], sizes = [64, 512], strides = [1, 1]} : vector<64x1536xf32> to vector<64x512xf32>
    %slice3A_252 = vector.extract_strided_slice %dot_general3A_205 {offsets = [0, 512], sizes = [64, 512], strides = [1, 1]} : vector<64x1536xf32> to vector<64x512xf32>
    %add3A_253 = arith.addf %slice3A_251, %slice3A_252 : vector<64x512xf32>
    %logistic3A_254 = arith.negf %add3A_253 : vector<64x512xf32>
    %logistic3A_255 = math.exp %logistic3A_254 : vector<64x512xf32>
    %logistic3A_256 = arith.constant 1.000000e+00 : f32
    %logistic3A_257 = vector.broadcast %logistic3A_256 : f32 to vector<64x512xf32>
    %logistic3A_258 = arith.addf %logistic3A_257, %logistic3A_255 : vector<64x512xf32>
    %logistic3A_259 = arith.divf %logistic3A_257, %logistic3A_258 : vector<64x512xf32>
    %slice3A_260 = vector.extract_strided_slice %convert_element_type3A_241 {offsets = [0, 1024], sizes = [64, 512], strides = [1, 1]} : vector<64x1536xf32> to vector<64x512xf32>
    %slice3A_261 = vector.extract_strided_slice %dot_general3A_205 {offsets = [0, 1024], sizes = [64, 512], strides = [1, 1]} : vector<64x1536xf32> to vector<64x512xf32>
    %get3A_262 = arith.constant 0 : index
    %get3A_263 = arith.constant 0 : index
    %get3A_264 = vector.load %arg6[%get3A_262, %get3A_263] : memref<1x512xf32, #tpu.memory_space<vmem>>, vector<1x512xf32>
    %add3A_265 = vector.broadcast %get3A_264 : vector<1x512xf32> to vector<64x512xf32>
    %add3A_266 = arith.addf %slice3A_261, %add3A_265 : vector<64x512xf32>
    %mul3A_267 = arith.mulf %logistic3A_250, %add3A_266 : vector<64x512xf32>
    %add3A_268 = arith.addf %slice3A_260, %mul3A_267 : vector<64x512xf32>
    %tanh3A_269 = math.tanh %add3A_268 : vector<64x512xf32>
    %sub3A_270 = arith.constant 1.000000e+00 : f32
    %sub3A_271 = vector.broadcast %sub3A_270 : f32 to vector<64x512xf32>
    %sub3A_272 = arith.subf %sub3A_271, %logistic3A_259 : vector<64x512xf32>
    %mul3A_273 = arith.mulf %sub3A_272, %tanh3A_269 : vector<64x512xf32>
    %mul3A_274 = arith.mulf %logistic3A_259, %add3A_183 : vector<64x512xf32>
    %add3A_275 = arith.addf %mul3A_273, %mul3A_274 : vector<64x512xf32>
    %get3A_276 = arith.constant 3 : index
    %get3A_277 = arith.constant 0 : index
    %get3A_278 = arith.constant 0 : index
    %get3A_279 = vector.load %arg1[%get3A_276, %get3A_277, %get3A_278] : memref<8x64x1536xbf16, #tpu.memory_space<vmem>>, vector<1x64x1536xbf16>
    %get3A_280 = vector.shape_cast %get3A_279 : vector<1x64x1536xbf16> to vector<64x1536xbf16>
    %get3A_281 = arith.constant 4 : index
    %get3A_282 = arith.constant 0 : index
    %get3A_283 = arith.constant 0 : index
    %get3A_284 = vector.load %arg2[%get3A_281, %get3A_282, %get3A_283] : memref<8x64x1536xbf16, #tpu.memory_space<vmem>>, vector<1x64x1536xbf16>
    %get3A_285 = vector.shape_cast %get3A_284 : vector<1x64x1536xbf16> to vector<64x1536xbf16>
    %convert_element_type3A_286 = arith.truncf %add3A_240 : vector<64x512xf32> to vector<64x512xbf16>
    %get3A_287 = arith.constant 0 : index
    %get3A_288 = arith.constant 0 : index
    %get3A_289 = vector.load %arg3[%get3A_287, %get3A_288] : memref<512x1536xbf16, #tpu.memory_space<vmem>>, vector<512x1536xbf16>
    %dot_general3A_290 = arith.constant dense<0.000000e+00> : vector<64x1536xf32>
    %dot_general3A_291 = tpu.matmul %convert_element_type3A_286, %get3A_289, %dot_general3A_290 {dimension_numbers = #tpu.dot_dimension_numbers<[1], [0], [0], [1], [0, 0, 1, 1], [], []>, transpose_lhs_hint = false} : vector<64x512xbf16>, vector<512x1536xbf16>, vector<64x1536xf32> -> vector<64x1536xf32>
    %convert_element_type3A_292 = arith.truncf %add3A_275 : vector<64x512xf32> to vector<64x512xbf16>
    %get3A_293 = arith.constant 0 : index
    %get3A_294 = arith.constant 0 : index
    %get3A_295 = vector.load %arg4[%get3A_293, %get3A_294] : memref<512x1536xbf16, #tpu.memory_space<vmem>>, vector<512x1536xbf16>
    %dot_general3A_296 = arith.constant dense<0.000000e+00> : vector<64x1536xf32>
    %dot_general3A_297 = tpu.matmul %convert_element_type3A_292, %get3A_295, %dot_general3A_296 {dimension_numbers = #tpu.dot_dimension_numbers<[1], [0], [0], [1], [0, 0, 1, 1], [], []>, transpose_lhs_hint = false} : vector<64x512xbf16>, vector<512x1536xbf16>, vector<64x1536xf32> -> vector<64x1536xf32>
    %convert_element_type3A_298 = arith.extf %get3A_280 : vector<64x1536xbf16> to vector<64x1536xf32>
    %slice3A_299 = vector.extract_strided_slice %convert_element_type3A_298 {offsets = [0, 0], sizes = [64, 512], strides = [1, 1]} : vector<64x1536xf32> to vector<64x512xf32>
    %slice3A_300 = vector.extract_strided_slice %dot_general3A_291 {offsets = [0, 0], sizes = [64, 512], strides = [1, 1]} : vector<64x1536xf32> to vector<64x512xf32>
    %add3A_301 = arith.addf %slice3A_299, %slice3A_300 : vector<64x512xf32>
    %logistic3A_302 = arith.negf %add3A_301 : vector<64x512xf32>
    %logistic3A_303 = math.exp %logistic3A_302 : vector<64x512xf32>
    %logistic3A_304 = arith.constant 1.000000e+00 : f32
    %logistic3A_305 = vector.broadcast %logistic3A_304 : f32 to vector<64x512xf32>
    %logistic3A_306 = arith.addf %logistic3A_305, %logistic3A_303 : vector<64x512xf32>
    %logistic3A_307 = arith.divf %logistic3A_305, %logistic3A_306 : vector<64x512xf32>
    %slice3A_308 = vector.extract_strided_slice %convert_element_type3A_298 {offsets = [0, 512], sizes = [64, 512], strides = [1, 1]} : vector<64x1536xf32> to vector<64x512xf32>
    %slice3A_309 = vector.extract_strided_slice %dot_general3A_291 {offsets = [0, 512], sizes = [64, 512], strides = [1, 1]} : vector<64x1536xf32> to vector<64x512xf32>
    %add3A_310 = arith.addf %slice3A_308, %slice3A_309 : vector<64x512xf32>
    %logistic3A_311 = arith.negf %add3A_310 : vector<64x512xf32>
    %logistic3A_312 = math.exp %logistic3A_311 : vector<64x512xf32>
    %logistic3A_313 = arith.constant 1.000000e+00 : f32
    %logistic3A_314 = vector.broadcast %logistic3A_313 : f32 to vector<64x512xf32>
    %logistic3A_315 = arith.addf %logistic3A_314, %logistic3A_312 : vector<64x512xf32>
    %logistic3A_316 = arith.divf %logistic3A_314, %logistic3A_315 : vector<64x512xf32>
    %slice3A_317 = vector.extract_strided_slice %convert_element_type3A_298 {offsets = [0, 1024], sizes = [64, 512], strides = [1, 1]} : vector<64x1536xf32> to vector<64x512xf32>
    %slice3A_318 = vector.extract_strided_slice %dot_general3A_291 {offsets = [0, 1024], sizes = [64, 512], strides = [1, 1]} : vector<64x1536xf32> to vector<64x512xf32>
    %get3A_319 = arith.constant 0 : index
    %get3A_320 = arith.constant 0 : index
    %get3A_321 = vector.load %arg5[%get3A_319, %get3A_320] : memref<1x512xf32, #tpu.memory_space<vmem>>, vector<1x512xf32>
    %add3A_322 = vector.broadcast %get3A_321 : vector<1x512xf32> to vector<64x512xf32>
    %add3A_323 = arith.addf %slice3A_318, %add3A_322 : vector<64x512xf32>
    %mul3A_324 = arith.mulf %logistic3A_307, %add3A_323 : vector<64x512xf32>
    %add3A_325 = arith.addf %slice3A_317, %mul3A_324 : vector<64x512xf32>
    %tanh3A_326 = math.tanh %add3A_325 : vector<64x512xf32>
    %sub3A_327 = arith.constant 1.000000e+00 : f32
    %sub3A_328 = vector.broadcast %sub3A_327 : f32 to vector<64x512xf32>
    %sub3A_329 = arith.subf %sub3A_328, %logistic3A_316 : vector<64x512xf32>
    %mul3A_330 = arith.mulf %sub3A_329, %tanh3A_326 : vector<64x512xf32>
    %mul3A_331 = arith.mulf %logistic3A_316, %add3A_240 : vector<64x512xf32>
    %add3A_332 = arith.addf %mul3A_330, %mul3A_331 : vector<64x512xf32>
    %convert_element_type3A_333 = arith.extf %get3A_285 : vector<64x1536xbf16> to vector<64x1536xf32>
    %slice3A_334 = vector.extract_strided_slice %convert_element_type3A_333 {offsets = [0, 0], sizes = [64, 512], strides = [1, 1]} : vector<64x1536xf32> to vector<64x512xf32>
    %slice3A_335 = vector.extract_strided_slice %dot_general3A_297 {offsets = [0, 0], sizes = [64, 512], strides = [1, 1]} : vector<64x1536xf32> to vector<64x512xf32>
    %add3A_336 = arith.addf %slice3A_334, %slice3A_335 : vector<64x512xf32>
    %logistic3A_337 = arith.negf %add3A_336 : vector<64x512xf32>
    %logistic3A_338 = math.exp %logistic3A_337 : vector<64x512xf32>
    %logistic3A_339 = arith.constant 1.000000e+00 : f32
    %logistic3A_340 = vector.broadcast %logistic3A_339 : f32 to vector<64x512xf32>
    %logistic3A_341 = arith.addf %logistic3A_340, %logistic3A_338 : vector<64x512xf32>
    %logistic3A_342 = arith.divf %logistic3A_340, %logistic3A_341 : vector<64x512xf32>
    %slice3A_343 = vector.extract_strided_slice %convert_element_type3A_333 {offsets = [0, 512], sizes = [64, 512], strides = [1, 1]} : vector<64x1536xf32> to vector<64x512xf32>
    %slice3A_344 = vector.extract_strided_slice %dot_general3A_297 {offsets = [0, 512], sizes = [64, 512], strides = [1, 1]} : vector<64x1536xf32> to vector<64x512xf32>
    %add3A_345 = arith.addf %slice3A_343, %slice3A_344 : vector<64x512xf32>
    %logistic3A_346 = arith.negf %add3A_345 : vector<64x512xf32>
    %logistic3A_347 = math.exp %logistic3A_346 : vector<64x512xf32>
    %logistic3A_348 = arith.constant 1.000000e+00 : f32
    %logistic3A_349 = vector.broadcast %logistic3A_348 : f32 to vector<64x512xf32>
    %logistic3A_350 = arith.addf %logistic3A_349, %logistic3A_347 : vector<64x512xf32>
    %logistic3A_351 = arith.divf %logistic3A_349, %logistic3A_350 : vector<64x512xf32>
    %slice3A_352 = vector.extract_strided_slice %convert_element_type3A_333 {offsets = [0, 1024], sizes = [64, 512], strides = [1, 1]} : vector<64x1536xf32> to vector<64x512xf32>
    %slice3A_353 = vector.extract_strided_slice %dot_general3A_297 {offsets = [0, 1024], sizes = [64, 512], strides = [1, 1]} : vector<64x1536xf32> to vector<64x512xf32>
    %get3A_354 = arith.constant 0 : index
    %get3A_355 = arith.constant 0 : index
    %get3A_356 = vector.load %arg6[%get3A_354, %get3A_355] : memref<1x512xf32, #tpu.memory_space<vmem>>, vector<1x512xf32>
    %add3A_357 = vector.broadcast %get3A_356 : vector<1x512xf32> to vector<64x512xf32>
    %add3A_358 = arith.addf %slice3A_353, %add3A_357 : vector<64x512xf32>
    %mul3A_359 = arith.mulf %logistic3A_342, %add3A_358 : vector<64x512xf32>
    %add3A_360 = arith.addf %slice3A_352, %mul3A_359 : vector<64x512xf32>
    %tanh3A_361 = math.tanh %add3A_360 : vector<64x512xf32>
    %sub3A_362 = arith.constant 1.000000e+00 : f32
    %sub3A_363 = vector.broadcast %sub3A_362 : f32 to vector<64x512xf32>
    %sub3A_364 = arith.subf %sub3A_363, %logistic3A_351 : vector<64x512xf32>
    %mul3A_365 = arith.mulf %sub3A_364, %tanh3A_361 : vector<64x512xf32>
    %mul3A_366 = arith.mulf %logistic3A_351, %add3A_275 : vector<64x512xf32>
    %add3A_367 = arith.addf %mul3A_365, %mul3A_366 : vector<64x512xf32>
    %get3A_368 = arith.constant 4 : index
    %get3A_369 = arith.constant 0 : index
    %get3A_370 = arith.constant 0 : index
    %get3A_371 = vector.load %arg1[%get3A_368, %get3A_369, %get3A_370] : memref<8x64x1536xbf16, #tpu.memory_space<vmem>>, vector<1x64x1536xbf16>
    %get3A_372 = vector.shape_cast %get3A_371 : vector<1x64x1536xbf16> to vector<64x1536xbf16>
    %get3A_373 = arith.constant 3 : index
    %get3A_374 = arith.constant 0 : index
    %get3A_375 = arith.constant 0 : index
    %get3A_376 = vector.load %arg2[%get3A_373, %get3A_374, %get3A_375] : memref<8x64x1536xbf16, #tpu.memory_space<vmem>>, vector<1x64x1536xbf16>
    %get3A_377 = vector.shape_cast %get3A_376 : vector<1x64x1536xbf16> to vector<64x1536xbf16>
    %convert_element_type3A_378 = arith.truncf %add3A_332 : vector<64x512xf32> to vector<64x512xbf16>
    %get3A_379 = arith.constant 0 : index
    %get3A_380 = arith.constant 0 : index
    %get3A_381 = vector.load %arg3[%get3A_379, %get3A_380] : memref<512x1536xbf16, #tpu.memory_space<vmem>>, vector<512x1536xbf16>
    %dot_general3A_382 = arith.constant dense<0.000000e+00> : vector<64x1536xf32>
    %dot_general3A_383 = tpu.matmul %convert_element_type3A_378, %get3A_381, %dot_general3A_382 {dimension_numbers = #tpu.dot_dimension_numbers<[1], [0], [0], [1], [0, 0, 1, 1], [], []>, transpose_lhs_hint = false} : vector<64x512xbf16>, vector<512x1536xbf16>, vector<64x1536xf32> -> vector<64x1536xf32>
    %convert_element_type3A_384 = arith.truncf %add3A_367 : vector<64x512xf32> to vector<64x512xbf16>
    %get3A_385 = arith.constant 0 : index
    %get3A_386 = arith.constant 0 : index
    %get3A_387 = vector.load %arg4[%get3A_385, %get3A_386] : memref<512x1536xbf16, #tpu.memory_space<vmem>>, vector<512x1536xbf16>
    %dot_general3A_388 = arith.constant dense<0.000000e+00> : vector<64x1536xf32>
    %dot_general3A_389 = tpu.matmul %convert_element_type3A_384, %get3A_387, %dot_general3A_388 {dimension_numbers = #tpu.dot_dimension_numbers<[1], [0], [0], [1], [0, 0, 1, 1], [], []>, transpose_lhs_hint = false} : vector<64x512xbf16>, vector<512x1536xbf16>, vector<64x1536xf32> -> vector<64x1536xf32>
    %convert_element_type3A_390 = arith.extf %get3A_372 : vector<64x1536xbf16> to vector<64x1536xf32>
    %slice3A_391 = vector.extract_strided_slice %convert_element_type3A_390 {offsets = [0, 0], sizes = [64, 512], strides = [1, 1]} : vector<64x1536xf32> to vector<64x512xf32>
    %slice3A_392 = vector.extract_strided_slice %dot_general3A_383 {offsets = [0, 0], sizes = [64, 512], strides = [1, 1]} : vector<64x1536xf32> to vector<64x512xf32>
    %add3A_393 = arith.addf %slice3A_391, %slice3A_392 : vector<64x512xf32>
    %logistic3A_394 = arith.negf %add3A_393 : vector<64x512xf32>
    %logistic3A_395 = math.exp %logistic3A_394 : vector<64x512xf32>
    %logistic3A_396 = arith.constant 1.000000e+00 : f32
    %logistic3A_397 = vector.broadcast %logistic3A_396 : f32 to vector<64x512xf32>
    %logistic3A_398 = arith.addf %logistic3A_397, %logistic3A_395 : vector<64x512xf32>
    %logistic3A_399 = arith.divf %logistic3A_397, %logistic3A_398 : vector<64x512xf32>
    %slice3A_400 = vector.extract_strided_slice %convert_element_type3A_390 {offsets = [0, 512], sizes = [64, 512], strides = [1, 1]} : vector<64x1536xf32> to vector<64x512xf32>
    %slice3A_401 = vector.extract_strided_slice %dot_general3A_383 {offsets = [0, 512], sizes = [64, 512], strides = [1, 1]} : vector<64x1536xf32> to vector<64x512xf32>
    %add3A_402 = arith.addf %slice3A_400, %slice3A_401 : vector<64x512xf32>
    %logistic3A_403 = arith.negf %add3A_402 : vector<64x512xf32>
    %logistic3A_404 = math.exp %logistic3A_403 : vector<64x512xf32>
    %logistic3A_405 = arith.constant 1.000000e+00 : f32
    %logistic3A_406 = vector.broadcast %logistic3A_405 : f32 to vector<64x512xf32>
    %logistic3A_407 = arith.addf %logistic3A_406, %logistic3A_404 : vector<64x512xf32>
    %logistic3A_408 = arith.divf %logistic3A_406, %logistic3A_407 : vector<64x512xf32>
    %slice3A_409 = vector.extract_strided_slice %convert_element_type3A_390 {offsets = [0, 1024], sizes = [64, 512], strides = [1, 1]} : vector<64x1536xf32> to vector<64x512xf32>
    %slice3A_410 = vector.extract_strided_slice %dot_general3A_383 {offsets = [0, 1024], sizes = [64, 512], strides = [1, 1]} : vector<64x1536xf32> to vector<64x512xf32>
    %get3A_411 = arith.constant 0 : index
    %get3A_412 = arith.constant 0 : index
    %get3A_413 = vector.load %arg5[%get3A_411, %get3A_412] : memref<1x512xf32, #tpu.memory_space<vmem>>, vector<1x512xf32>
    %add3A_414 = vector.broadcast %get3A_413 : vector<1x512xf32> to vector<64x512xf32>
    %add3A_415 = arith.addf %slice3A_410, %add3A_414 : vector<64x512xf32>
    %mul3A_416 = arith.mulf %logistic3A_399, %add3A_415 : vector<64x512xf32>
    %add3A_417 = arith.addf %slice3A_409, %mul3A_416 : vector<64x512xf32>
    %tanh3A_418 = math.tanh %add3A_417 : vector<64x512xf32>
    %sub3A_419 = arith.constant 1.000000e+00 : f32
    %sub3A_420 = vector.broadcast %sub3A_419 : f32 to vector<64x512xf32>
    %sub3A_421 = arith.subf %sub3A_420, %logistic3A_408 : vector<64x512xf32>
    %mul3A_422 = arith.mulf %sub3A_421, %tanh3A_418 : vector<64x512xf32>
    %mul3A_423 = arith.mulf %logistic3A_408, %add3A_332 : vector<64x512xf32>
    %add3A_424 = arith.addf %mul3A_422, %mul3A_423 : vector<64x512xf32>
    %convert_element_type3A_425 = arith.extf %get3A_377 : vector<64x1536xbf16> to vector<64x1536xf32>
    %slice3A_426 = vector.extract_strided_slice %convert_element_type3A_425 {offsets = [0, 0], sizes = [64, 512], strides = [1, 1]} : vector<64x1536xf32> to vector<64x512xf32>
    %slice3A_427 = vector.extract_strided_slice %dot_general3A_389 {offsets = [0, 0], sizes = [64, 512], strides = [1, 1]} : vector<64x1536xf32> to vector<64x512xf32>
    %add3A_428 = arith.addf %slice3A_426, %slice3A_427 : vector<64x512xf32>
    %logistic3A_429 = arith.negf %add3A_428 : vector<64x512xf32>
    %logistic3A_430 = math.exp %logistic3A_429 : vector<64x512xf32>
    %logistic3A_431 = arith.constant 1.000000e+00 : f32
    %logistic3A_432 = vector.broadcast %logistic3A_431 : f32 to vector<64x512xf32>
    %logistic3A_433 = arith.addf %logistic3A_432, %logistic3A_430 : vector<64x512xf32>
    %logistic3A_434 = arith.divf %logistic3A_432, %logistic3A_433 : vector<64x512xf32>
    %slice3A_435 = vector.extract_strided_slice %convert_element_type3A_425 {offsets = [0, 512], sizes = [64, 512], strides = [1, 1]} : vector<64x1536xf32> to vector<64x512xf32>
    %slice3A_436 = vector.extract_strided_slice %dot_general3A_389 {offsets = [0, 512], sizes = [64, 512], strides = [1, 1]} : vector<64x1536xf32> to vector<64x512xf32>
    %add3A_437 = arith.addf %slice3A_435, %slice3A_436 : vector<64x512xf32>
    %logistic3A_438 = arith.negf %add3A_437 : vector<64x512xf32>
    %logistic3A_439 = math.exp %logistic3A_438 : vector<64x512xf32>
    %logistic3A_440 = arith.constant 1.000000e+00 : f32
    %logistic3A_441 = vector.broadcast %logistic3A_440 : f32 to vector<64x512xf32>
    %logistic3A_442 = arith.addf %logistic3A_441, %logistic3A_439 : vector<64x512xf32>
    %logistic3A_443 = arith.divf %logistic3A_441, %logistic3A_442 : vector<64x512xf32>
    %slice3A_444 = vector.extract_strided_slice %convert_element_type3A_425 {offsets = [0, 1024], sizes = [64, 512], strides = [1, 1]} : vector<64x1536xf32> to vector<64x512xf32>
    %slice3A_445 = vector.extract_strided_slice %dot_general3A_389 {offsets = [0, 1024], sizes = [64, 512], strides = [1, 1]} : vector<64x1536xf32> to vector<64x512xf32>
    %get3A_446 = arith.constant 0 : index
    %get3A_447 = arith.constant 0 : index
    %get3A_448 = vector.load %arg6[%get3A_446, %get3A_447] : memref<1x512xf32, #tpu.memory_space<vmem>>, vector<1x512xf32>
    %add3A_449 = vector.broadcast %get3A_448 : vector<1x512xf32> to vector<64x512xf32>
    %add3A_450 = arith.addf %slice3A_445, %add3A_449 : vector<64x512xf32>
    %mul3A_451 = arith.mulf %logistic3A_434, %add3A_450 : vector<64x512xf32>
    %add3A_452 = arith.addf %slice3A_444, %mul3A_451 : vector<64x512xf32>
    %tanh3A_453 = math.tanh %add3A_452 : vector<64x512xf32>
    %sub3A_454 = arith.constant 1.000000e+00 : f32
    %sub3A_455 = vector.broadcast %sub3A_454 : f32 to vector<64x512xf32>
    %sub3A_456 = arith.subf %sub3A_455, %logistic3A_443 : vector<64x512xf32>
    %mul3A_457 = arith.mulf %sub3A_456, %tanh3A_453 : vector<64x512xf32>
    %mul3A_458 = arith.mulf %logistic3A_443, %add3A_367 : vector<64x512xf32>
    %add3A_459 = arith.addf %mul3A_457, %mul3A_458 : vector<64x512xf32>
    %get3A_460 = arith.constant 5 : index
    %get3A_461 = arith.constant 0 : index
    %get3A_462 = arith.constant 0 : index
    %get3A_463 = vector.load %arg1[%get3A_460, %get3A_461, %get3A_462] : memref<8x64x1536xbf16, #tpu.memory_space<vmem>>, vector<1x64x1536xbf16>
    %get3A_464 = vector.shape_cast %get3A_463 : vector<1x64x1536xbf16> to vector<64x1536xbf16>
    %get3A_465 = arith.constant 2 : index
    %get3A_466 = arith.constant 0 : index
    %get3A_467 = arith.constant 0 : index
    %get3A_468 = vector.load %arg2[%get3A_465, %get3A_466, %get3A_467] : memref<8x64x1536xbf16, #tpu.memory_space<vmem>>, vector<1x64x1536xbf16>
    %get3A_469 = vector.shape_cast %get3A_468 : vector<1x64x1536xbf16> to vector<64x1536xbf16>
    %convert_element_type3A_470 = arith.truncf %add3A_424 : vector<64x512xf32> to vector<64x512xbf16>
    %get3A_471 = arith.constant 0 : index
    %get3A_472 = arith.constant 0 : index
    %get3A_473 = vector.load %arg3[%get3A_471, %get3A_472] : memref<512x1536xbf16, #tpu.memory_space<vmem>>, vector<512x1536xbf16>
    %dot_general3A_474 = arith.constant dense<0.000000e+00> : vector<64x1536xf32>
    %dot_general3A_475 = tpu.matmul %convert_element_type3A_470, %get3A_473, %dot_general3A_474 {dimension_numbers = #tpu.dot_dimension_numbers<[1], [0], [0], [1], [0, 0, 1, 1], [], []>, transpose_lhs_hint = false} : vector<64x512xbf16>, vector<512x1536xbf16>, vector<64x1536xf32> -> vector<64x1536xf32>
    %convert_element_type3A_476 = arith.truncf %add3A_459 : vector<64x512xf32> to vector<64x512xbf16>
    %get3A_477 = arith.constant 0 : index
    %get3A_478 = arith.constant 0 : index
    %get3A_479 = vector.load %arg4[%get3A_477, %get3A_478] : memref<512x1536xbf16, #tpu.memory_space<vmem>>, vector<512x1536xbf16>
    %dot_general3A_480 = arith.constant dense<0.000000e+00> : vector<64x1536xf32>
    %dot_general3A_481 = tpu.matmul %convert_element_type3A_476, %get3A_479, %dot_general3A_480 {dimension_numbers = #tpu.dot_dimension_numbers<[1], [0], [0], [1], [0, 0, 1, 1], [], []>, transpose_lhs_hint = false} : vector<64x512xbf16>, vector<512x1536xbf16>, vector<64x1536xf32> -> vector<64x1536xf32>
    %convert_element_type3A_482 = arith.extf %get3A_464 : vector<64x1536xbf16> to vector<64x1536xf32>
    %slice3A_483 = vector.extract_strided_slice %convert_element_type3A_482 {offsets = [0, 0], sizes = [64, 512], strides = [1, 1]} : vector<64x1536xf32> to vector<64x512xf32>
    %slice3A_484 = vector.extract_strided_slice %dot_general3A_475 {offsets = [0, 0], sizes = [64, 512], strides = [1, 1]} : vector<64x1536xf32> to vector<64x512xf32>
    %add3A_485 = arith.addf %slice3A_483, %slice3A_484 : vector<64x512xf32>
    %logistic3A_486 = arith.negf %add3A_485 : vector<64x512xf32>
    %logistic3A_487 = math.exp %logistic3A_486 : vector<64x512xf32>
    %logistic3A_488 = arith.constant 1.000000e+00 : f32
    %logistic3A_489 = vector.broadcast %logistic3A_488 : f32 to vector<64x512xf32>
    %logistic3A_490 = arith.addf %logistic3A_489, %logistic3A_487 : vector<64x512xf32>
    %logistic3A_491 = arith.divf %logistic3A_489, %logistic3A_490 : vector<64x512xf32>
    %slice3A_492 = vector.extract_strided_slice %convert_element_type3A_482 {offsets = [0, 512], sizes = [64, 512], strides = [1, 1]} : vector<64x1536xf32> to vector<64x512xf32>
    %slice3A_493 = vector.extract_strided_slice %dot_general3A_475 {offsets = [0, 512], sizes = [64, 512], strides = [1, 1]} : vector<64x1536xf32> to vector<64x512xf32>
    %add3A_494 = arith.addf %slice3A_492, %slice3A_493 : vector<64x512xf32>
    %logistic3A_495 = arith.negf %add3A_494 : vector<64x512xf32>
    %logistic3A_496 = math.exp %logistic3A_495 : vector<64x512xf32>
    %logistic3A_497 = arith.constant 1.000000e+00 : f32
    %logistic3A_498 = vector.broadcast %logistic3A_497 : f32 to vector<64x512xf32>
    %logistic3A_499 = arith.addf %logistic3A_498, %logistic3A_496 : vector<64x512xf32>
    %logistic3A_500 = arith.divf %logistic3A_498, %logistic3A_499 : vector<64x512xf32>
    %slice3A_501 = vector.extract_strided_slice %convert_element_type3A_482 {offsets = [0, 1024], sizes = [64, 512], strides = [1, 1]} : vector<64x1536xf32> to vector<64x512xf32>
    %slice3A_502 = vector.extract_strided_slice %dot_general3A_475 {offsets = [0, 1024], sizes = [64, 512], strides = [1, 1]} : vector<64x1536xf32> to vector<64x512xf32>
    %get3A_503 = arith.constant 0 : index
    %get3A_504 = arith.constant 0 : index
    %get3A_505 = vector.load %arg5[%get3A_503, %get3A_504] : memref<1x512xf32, #tpu.memory_space<vmem>>, vector<1x512xf32>
    %add3A_506 = vector.broadcast %get3A_505 : vector<1x512xf32> to vector<64x512xf32>
    %add3A_507 = arith.addf %slice3A_502, %add3A_506 : vector<64x512xf32>
    %mul3A_508 = arith.mulf %logistic3A_491, %add3A_507 : vector<64x512xf32>
    %add3A_509 = arith.addf %slice3A_501, %mul3A_508 : vector<64x512xf32>
    %tanh3A_510 = math.tanh %add3A_509 : vector<64x512xf32>
    %sub3A_511 = arith.constant 1.000000e+00 : f32
    %sub3A_512 = vector.broadcast %sub3A_511 : f32 to vector<64x512xf32>
    %sub3A_513 = arith.subf %sub3A_512, %logistic3A_500 : vector<64x512xf32>
    %mul3A_514 = arith.mulf %sub3A_513, %tanh3A_510 : vector<64x512xf32>
    %mul3A_515 = arith.mulf %logistic3A_500, %add3A_424 : vector<64x512xf32>
    %add3A_516 = arith.addf %mul3A_514, %mul3A_515 : vector<64x512xf32>
    %convert_element_type3A_517 = arith.extf %get3A_469 : vector<64x1536xbf16> to vector<64x1536xf32>
    %slice3A_518 = vector.extract_strided_slice %convert_element_type3A_517 {offsets = [0, 0], sizes = [64, 512], strides = [1, 1]} : vector<64x1536xf32> to vector<64x512xf32>
    %slice3A_519 = vector.extract_strided_slice %dot_general3A_481 {offsets = [0, 0], sizes = [64, 512], strides = [1, 1]} : vector<64x1536xf32> to vector<64x512xf32>
    %add3A_520 = arith.addf %slice3A_518, %slice3A_519 : vector<64x512xf32>
    %logistic3A_521 = arith.negf %add3A_520 : vector<64x512xf32>
    %logistic3A_522 = math.exp %logistic3A_521 : vector<64x512xf32>
    %logistic3A_523 = arith.constant 1.000000e+00 : f32
    %logistic3A_524 = vector.broadcast %logistic3A_523 : f32 to vector<64x512xf32>
    %logistic3A_525 = arith.addf %logistic3A_524, %logistic3A_522 : vector<64x512xf32>
    %logistic3A_526 = arith.divf %logistic3A_524, %logistic3A_525 : vector<64x512xf32>
    %slice3A_527 = vector.extract_strided_slice %convert_element_type3A_517 {offsets = [0, 512], sizes = [64, 512], strides = [1, 1]} : vector<64x1536xf32> to vector<64x512xf32>
    %slice3A_528 = vector.extract_strided_slice %dot_general3A_481 {offsets = [0, 512], sizes = [64, 512], strides = [1, 1]} : vector<64x1536xf32> to vector<64x512xf32>
    %add3A_529 = arith.addf %slice3A_527, %slice3A_528 : vector<64x512xf32>
    %logistic3A_530 = arith.negf %add3A_529 : vector<64x512xf32>
    %logistic3A_531 = math.exp %logistic3A_530 : vector<64x512xf32>
    %logistic3A_532 = arith.constant 1.000000e+00 : f32
    %logistic3A_533 = vector.broadcast %logistic3A_532 : f32 to vector<64x512xf32>
    %logistic3A_534 = arith.addf %logistic3A_533, %logistic3A_531 : vector<64x512xf32>
    %logistic3A_535 = arith.divf %logistic3A_533, %logistic3A_534 : vector<64x512xf32>
    %slice3A_536 = vector.extract_strided_slice %convert_element_type3A_517 {offsets = [0, 1024], sizes = [64, 512], strides = [1, 1]} : vector<64x1536xf32> to vector<64x512xf32>
    %slice3A_537 = vector.extract_strided_slice %dot_general3A_481 {offsets = [0, 1024], sizes = [64, 512], strides = [1, 1]} : vector<64x1536xf32> to vector<64x512xf32>
    %get3A_538 = arith.constant 0 : index
    %get3A_539 = arith.constant 0 : index
    %get3A_540 = vector.load %arg6[%get3A_538, %get3A_539] : memref<1x512xf32, #tpu.memory_space<vmem>>, vector<1x512xf32>
    %add3A_541 = vector.broadcast %get3A_540 : vector<1x512xf32> to vector<64x512xf32>
    %add3A_542 = arith.addf %slice3A_537, %add3A_541 : vector<64x512xf32>
    %mul3A_543 = arith.mulf %logistic3A_526, %add3A_542 : vector<64x512xf32>
    %add3A_544 = arith.addf %slice3A_536, %mul3A_543 : vector<64x512xf32>
    %tanh3A_545 = math.tanh %add3A_544 : vector<64x512xf32>
    %sub3A_546 = arith.constant 1.000000e+00 : f32
    %sub3A_547 = vector.broadcast %sub3A_546 : f32 to vector<64x512xf32>
    %sub3A_548 = arith.subf %sub3A_547, %logistic3A_535 : vector<64x512xf32>
    %mul3A_549 = arith.mulf %sub3A_548, %tanh3A_545 : vector<64x512xf32>
    %mul3A_550 = arith.mulf %logistic3A_535, %add3A_459 : vector<64x512xf32>
    %add3A_551 = arith.addf %mul3A_549, %mul3A_550 : vector<64x512xf32>
    %get3A_552 = arith.constant 6 : index
    %get3A_553 = arith.constant 0 : index
    %get3A_554 = arith.constant 0 : index
    %get3A_555 = vector.load %arg1[%get3A_552, %get3A_553, %get3A_554] : memref<8x64x1536xbf16, #tpu.memory_space<vmem>>, vector<1x64x1536xbf16>
    %get3A_556 = vector.shape_cast %get3A_555 : vector<1x64x1536xbf16> to vector<64x1536xbf16>
    %get3A_557 = arith.constant 1 : index
    %get3A_558 = arith.constant 0 : index
    %get3A_559 = arith.constant 0 : index
    %get3A_560 = vector.load %arg2[%get3A_557, %get3A_558, %get3A_559] : memref<8x64x1536xbf16, #tpu.memory_space<vmem>>, vector<1x64x1536xbf16>
    %get3A_561 = vector.shape_cast %get3A_560 : vector<1x64x1536xbf16> to vector<64x1536xbf16>
    %convert_element_type3A_562 = arith.truncf %add3A_516 : vector<64x512xf32> to vector<64x512xbf16>
    %get3A_563 = arith.constant 0 : index
    %get3A_564 = arith.constant 0 : index
    %get3A_565 = vector.load %arg3[%get3A_563, %get3A_564] : memref<512x1536xbf16, #tpu.memory_space<vmem>>, vector<512x1536xbf16>
    %dot_general3A_566 = arith.constant dense<0.000000e+00> : vector<64x1536xf32>
    %dot_general3A_567 = tpu.matmul %convert_element_type3A_562, %get3A_565, %dot_general3A_566 {dimension_numbers = #tpu.dot_dimension_numbers<[1], [0], [0], [1], [0, 0, 1, 1], [], []>, transpose_lhs_hint = false} : vector<64x512xbf16>, vector<512x1536xbf16>, vector<64x1536xf32> -> vector<64x1536xf32>
    %convert_element_type3A_568 = arith.truncf %add3A_551 : vector<64x512xf32> to vector<64x512xbf16>
    %get3A_569 = arith.constant 0 : index
    %get3A_570 = arith.constant 0 : index
    %get3A_571 = vector.load %arg4[%get3A_569, %get3A_570] : memref<512x1536xbf16, #tpu.memory_space<vmem>>, vector<512x1536xbf16>
    %dot_general3A_572 = arith.constant dense<0.000000e+00> : vector<64x1536xf32>
    %dot_general3A_573 = tpu.matmul %convert_element_type3A_568, %get3A_571, %dot_general3A_572 {dimension_numbers = #tpu.dot_dimension_numbers<[1], [0], [0], [1], [0, 0, 1, 1], [], []>, transpose_lhs_hint = false} : vector<64x512xbf16>, vector<512x1536xbf16>, vector<64x1536xf32> -> vector<64x1536xf32>
    %convert_element_type3A_574 = arith.extf %get3A_556 : vector<64x1536xbf16> to vector<64x1536xf32>
    %slice3A_575 = vector.extract_strided_slice %convert_element_type3A_574 {offsets = [0, 0], sizes = [64, 512], strides = [1, 1]} : vector<64x1536xf32> to vector<64x512xf32>
    %slice3A_576 = vector.extract_strided_slice %dot_general3A_567 {offsets = [0, 0], sizes = [64, 512], strides = [1, 1]} : vector<64x1536xf32> to vector<64x512xf32>
    %add3A_577 = arith.addf %slice3A_575, %slice3A_576 : vector<64x512xf32>
    %logistic3A_578 = arith.negf %add3A_577 : vector<64x512xf32>
    %logistic3A_579 = math.exp %logistic3A_578 : vector<64x512xf32>
    %logistic3A_580 = arith.constant 1.000000e+00 : f32
    %logistic3A_581 = vector.broadcast %logistic3A_580 : f32 to vector<64x512xf32>
    %logistic3A_582 = arith.addf %logistic3A_581, %logistic3A_579 : vector<64x512xf32>
    %logistic3A_583 = arith.divf %logistic3A_581, %logistic3A_582 : vector<64x512xf32>
    %slice3A_584 = vector.extract_strided_slice %convert_element_type3A_574 {offsets = [0, 512], sizes = [64, 512], strides = [1, 1]} : vector<64x1536xf32> to vector<64x512xf32>
    %slice3A_585 = vector.extract_strided_slice %dot_general3A_567 {offsets = [0, 512], sizes = [64, 512], strides = [1, 1]} : vector<64x1536xf32> to vector<64x512xf32>
    %add3A_586 = arith.addf %slice3A_584, %slice3A_585 : vector<64x512xf32>
    %logistic3A_587 = arith.negf %add3A_586 : vector<64x512xf32>
    %logistic3A_588 = math.exp %logistic3A_587 : vector<64x512xf32>
    %logistic3A_589 = arith.constant 1.000000e+00 : f32
    %logistic3A_590 = vector.broadcast %logistic3A_589 : f32 to vector<64x512xf32>
    %logistic3A_591 = arith.addf %logistic3A_590, %logistic3A_588 : vector<64x512xf32>
    %logistic3A_592 = arith.divf %logistic3A_590, %logistic3A_591 : vector<64x512xf32>
    %slice3A_593 = vector.extract_strided_slice %convert_element_type3A_574 {offsets = [0, 1024], sizes = [64, 512], strides = [1, 1]} : vector<64x1536xf32> to vector<64x512xf32>
    %slice3A_594 = vector.extract_strided_slice %dot_general3A_567 {offsets = [0, 1024], sizes = [64, 512], strides = [1, 1]} : vector<64x1536xf32> to vector<64x512xf32>
    %get3A_595 = arith.constant 0 : index
    %get3A_596 = arith.constant 0 : index
    %get3A_597 = vector.load %arg5[%get3A_595, %get3A_596] : memref<1x512xf32, #tpu.memory_space<vmem>>, vector<1x512xf32>
    %add3A_598 = vector.broadcast %get3A_597 : vector<1x512xf32> to vector<64x512xf32>
    %add3A_599 = arith.addf %slice3A_594, %add3A_598 : vector<64x512xf32>
    %mul3A_600 = arith.mulf %logistic3A_583, %add3A_599 : vector<64x512xf32>
    %add3A_601 = arith.addf %slice3A_593, %mul3A_600 : vector<64x512xf32>
    %tanh3A_602 = math.tanh %add3A_601 : vector<64x512xf32>
    %sub3A_603 = arith.constant 1.000000e+00 : f32
    %sub3A_604 = vector.broadcast %sub3A_603 : f32 to vector<64x512xf32>
    %sub3A_605 = arith.subf %sub3A_604, %logistic3A_592 : vector<64x512xf32>
    %mul3A_606 = arith.mulf %sub3A_605, %tanh3A_602 : vector<64x512xf32>
    %mul3A_607 = arith.mulf %logistic3A_592, %add3A_516 : vector<64x512xf32>
    %add3A_608 = arith.addf %mul3A_606, %mul3A_607 : vector<64x512xf32>
    %convert_element_type3A_609 = arith.extf %get3A_561 : vector<64x1536xbf16> to vector<64x1536xf32>
    %slice3A_610 = vector.extract_strided_slice %convert_element_type3A_609 {offsets = [0, 0], sizes = [64, 512], strides = [1, 1]} : vector<64x1536xf32> to vector<64x512xf32>
    %slice3A_611 = vector.extract_strided_slice %dot_general3A_573 {offsets = [0, 0], sizes = [64, 512], strides = [1, 1]} : vector<64x1536xf32> to vector<64x512xf32>
    %add3A_612 = arith.addf %slice3A_610, %slice3A_611 : vector<64x512xf32>
    %logistic3A_613 = arith.negf %add3A_612 : vector<64x512xf32>
    %logistic3A_614 = math.exp %logistic3A_613 : vector<64x512xf32>
    %logistic3A_615 = arith.constant 1.000000e+00 : f32
    %logistic3A_616 = vector.broadcast %logistic3A_615 : f32 to vector<64x512xf32>
    %logistic3A_617 = arith.addf %logistic3A_616, %logistic3A_614 : vector<64x512xf32>
    %logistic3A_618 = arith.divf %logistic3A_616, %logistic3A_617 : vector<64x512xf32>
    %slice3A_619 = vector.extract_strided_slice %convert_element_type3A_609 {offsets = [0, 512], sizes = [64, 512], strides = [1, 1]} : vector<64x1536xf32> to vector<64x512xf32>
    %slice3A_620 = vector.extract_strided_slice %dot_general3A_573 {offsets = [0, 512], sizes = [64, 512], strides = [1, 1]} : vector<64x1536xf32> to vector<64x512xf32>
    %add3A_621 = arith.addf %slice3A_619, %slice3A_620 : vector<64x512xf32>
    %logistic3A_622 = arith.negf %add3A_621 : vector<64x512xf32>
    %logistic3A_623 = math.exp %logistic3A_622 : vector<64x512xf32>
    %logistic3A_624 = arith.constant 1.000000e+00 : f32
    %logistic3A_625 = vector.broadcast %logistic3A_624 : f32 to vector<64x512xf32>
    %logistic3A_626 = arith.addf %logistic3A_625, %logistic3A_623 : vector<64x512xf32>
    %logistic3A_627 = arith.divf %logistic3A_625, %logistic3A_626 : vector<64x512xf32>
    %slice3A_628 = vector.extract_strided_slice %convert_element_type3A_609 {offsets = [0, 1024], sizes = [64, 512], strides = [1, 1]} : vector<64x1536xf32> to vector<64x512xf32>
    %slice3A_629 = vector.extract_strided_slice %dot_general3A_573 {offsets = [0, 1024], sizes = [64, 512], strides = [1, 1]} : vector<64x1536xf32> to vector<64x512xf32>
    %get3A_630 = arith.constant 0 : index
    %get3A_631 = arith.constant 0 : index
    %get3A_632 = vector.load %arg6[%get3A_630, %get3A_631] : memref<1x512xf32, #tpu.memory_space<vmem>>, vector<1x512xf32>
    %add3A_633 = vector.broadcast %get3A_632 : vector<1x512xf32> to vector<64x512xf32>
    %add3A_634 = arith.addf %slice3A_629, %add3A_633 : vector<64x512xf32>
    %mul3A_635 = arith.mulf %logistic3A_618, %add3A_634 : vector<64x512xf32>
    %add3A_636 = arith.addf %slice3A_628, %mul3A_635 : vector<64x512xf32>
    %tanh3A_637 = math.tanh %add3A_636 : vector<64x512xf32>
    %sub3A_638 = arith.constant 1.000000e+00 : f32
    %sub3A_639 = vector.broadcast %sub3A_638 : f32 to vector<64x512xf32>
    %sub3A_640 = arith.subf %sub3A_639, %logistic3A_627 : vector<64x512xf32>
    %mul3A_641 = arith.mulf %sub3A_640, %tanh3A_637 : vector<64x512xf32>
    %mul3A_642 = arith.mulf %logistic3A_627, %add3A_551 : vector<64x512xf32>
    %add3A_643 = arith.addf %mul3A_641, %mul3A_642 : vector<64x512xf32>
    %get3A_644 = arith.constant 7 : index
    %get3A_645 = arith.constant 0 : index
    %get3A_646 = arith.constant 0 : index
    %get3A_647 = vector.load %arg1[%get3A_644, %get3A_645, %get3A_646] : memref<8x64x1536xbf16, #tpu.memory_space<vmem>>, vector<1x64x1536xbf16>
    %get3A_648 = vector.shape_cast %get3A_647 : vector<1x64x1536xbf16> to vector<64x1536xbf16>
    %get3A_649 = arith.constant 0 : index
    %get3A_650 = arith.constant 0 : index
    %get3A_651 = arith.constant 0 : index
    %get3A_652 = vector.load %arg2[%get3A_649, %get3A_650, %get3A_651] : memref<8x64x1536xbf16, #tpu.memory_space<vmem>>, vector<1x64x1536xbf16>
    %get3A_653 = vector.shape_cast %get3A_652 : vector<1x64x1536xbf16> to vector<64x1536xbf16>
    %convert_element_type3A_654 = arith.truncf %add3A_608 : vector<64x512xf32> to vector<64x512xbf16>
    %get3A_655 = arith.constant 0 : index
    %get3A_656 = arith.constant 0 : index
    %get3A_657 = vector.load %arg3[%get3A_655, %get3A_656] : memref<512x1536xbf16, #tpu.memory_space<vmem>>, vector<512x1536xbf16>
    %dot_general3A_658 = arith.constant dense<0.000000e+00> : vector<64x1536xf32>
    %dot_general3A_659 = tpu.matmul %convert_element_type3A_654, %get3A_657, %dot_general3A_658 {dimension_numbers = #tpu.dot_dimension_numbers<[1], [0], [0], [1], [0, 0, 1, 1], [], []>, transpose_lhs_hint = false} : vector<64x512xbf16>, vector<512x1536xbf16>, vector<64x1536xf32> -> vector<64x1536xf32>
    %convert_element_type3A_660 = arith.truncf %add3A_643 : vector<64x512xf32> to vector<64x512xbf16>
    %get3A_661 = arith.constant 0 : index
    %get3A_662 = arith.constant 0 : index
    %get3A_663 = vector.load %arg4[%get3A_661, %get3A_662] : memref<512x1536xbf16, #tpu.memory_space<vmem>>, vector<512x1536xbf16>
    %dot_general3A_664 = arith.constant dense<0.000000e+00> : vector<64x1536xf32>
    %dot_general3A_665 = tpu.matmul %convert_element_type3A_660, %get3A_663, %dot_general3A_664 {dimension_numbers = #tpu.dot_dimension_numbers<[1], [0], [0], [1], [0, 0, 1, 1], [], []>, transpose_lhs_hint = false} : vector<64x512xbf16>, vector<512x1536xbf16>, vector<64x1536xf32> -> vector<64x1536xf32>
    %convert_element_type3A_666 = arith.extf %get3A_648 : vector<64x1536xbf16> to vector<64x1536xf32>
    %slice3A_667 = vector.extract_strided_slice %convert_element_type3A_666 {offsets = [0, 0], sizes = [64, 512], strides = [1, 1]} : vector<64x1536xf32> to vector<64x512xf32>
    %slice3A_668 = vector.extract_strided_slice %dot_general3A_659 {offsets = [0, 0], sizes = [64, 512], strides = [1, 1]} : vector<64x1536xf32> to vector<64x512xf32>
    %add3A_669 = arith.addf %slice3A_667, %slice3A_668 : vector<64x512xf32>
    %logistic3A_670 = arith.negf %add3A_669 : vector<64x512xf32>
    %logistic3A_671 = math.exp %logistic3A_670 : vector<64x512xf32>
    %logistic3A_672 = arith.constant 1.000000e+00 : f32
    %logistic3A_673 = vector.broadcast %logistic3A_672 : f32 to vector<64x512xf32>
    %logistic3A_674 = arith.addf %logistic3A_673, %logistic3A_671 : vector<64x512xf32>
    %logistic3A_675 = arith.divf %logistic3A_673, %logistic3A_674 : vector<64x512xf32>
    %slice3A_676 = vector.extract_strided_slice %convert_element_type3A_666 {offsets = [0, 512], sizes = [64, 512], strides = [1, 1]} : vector<64x1536xf32> to vector<64x512xf32>
    %slice3A_677 = vector.extract_strided_slice %dot_general3A_659 {offsets = [0, 512], sizes = [64, 512], strides = [1, 1]} : vector<64x1536xf32> to vector<64x512xf32>
    %add3A_678 = arith.addf %slice3A_676, %slice3A_677 : vector<64x512xf32>
    %logistic3A_679 = arith.negf %add3A_678 : vector<64x512xf32>
    %logistic3A_680 = math.exp %logistic3A_679 : vector<64x512xf32>
    %logistic3A_681 = arith.constant 1.000000e+00 : f32
    %logistic3A_682 = vector.broadcast %logistic3A_681 : f32 to vector<64x512xf32>
    %logistic3A_683 = arith.addf %logistic3A_682, %logistic3A_680 : vector<64x512xf32>
    %logistic3A_684 = arith.divf %logistic3A_682, %logistic3A_683 : vector<64x512xf32>
    %slice3A_685 = vector.extract_strided_slice %convert_element_type3A_666 {offsets = [0, 1024], sizes = [64, 512], strides = [1, 1]} : vector<64x1536xf32> to vector<64x512xf32>
    %slice3A_686 = vector.extract_strided_slice %dot_general3A_659 {offsets = [0, 1024], sizes = [64, 512], strides = [1, 1]} : vector<64x1536xf32> to vector<64x512xf32>
    %get3A_687 = arith.constant 0 : index
    %get3A_688 = arith.constant 0 : index
    %get3A_689 = vector.load %arg5[%get3A_687, %get3A_688] : memref<1x512xf32, #tpu.memory_space<vmem>>, vector<1x512xf32>
    %add3A_690 = vector.broadcast %get3A_689 : vector<1x512xf32> to vector<64x512xf32>
    %add3A_691 = arith.addf %slice3A_686, %add3A_690 : vector<64x512xf32>
    %mul3A_692 = arith.mulf %logistic3A_675, %add3A_691 : vector<64x512xf32>
    %add3A_693 = arith.addf %slice3A_685, %mul3A_692 : vector<64x512xf32>
    %tanh3A_694 = math.tanh %add3A_693 : vector<64x512xf32>
    %sub3A_695 = arith.constant 1.000000e+00 : f32
    %sub3A_696 = vector.broadcast %sub3A_695 : f32 to vector<64x512xf32>
    %sub3A_697 = arith.subf %sub3A_696, %logistic3A_684 : vector<64x512xf32>
    %mul3A_698 = arith.mulf %sub3A_697, %tanh3A_694 : vector<64x512xf32>
    %mul3A_699 = arith.mulf %logistic3A_684, %add3A_608 : vector<64x512xf32>
    %add3A_700 = arith.addf %mul3A_698, %mul3A_699 : vector<64x512xf32>
    %convert_element_type3A_701 = arith.extf %get3A_653 : vector<64x1536xbf16> to vector<64x1536xf32>
    %slice3A_702 = vector.extract_strided_slice %convert_element_type3A_701 {offsets = [0, 0], sizes = [64, 512], strides = [1, 1]} : vector<64x1536xf32> to vector<64x512xf32>
    %slice3A_703 = vector.extract_strided_slice %dot_general3A_665 {offsets = [0, 0], sizes = [64, 512], strides = [1, 1]} : vector<64x1536xf32> to vector<64x512xf32>
    %add3A_704 = arith.addf %slice3A_702, %slice3A_703 : vector<64x512xf32>
    %logistic3A_705 = arith.negf %add3A_704 : vector<64x512xf32>
    %logistic3A_706 = math.exp %logistic3A_705 : vector<64x512xf32>
    %logistic3A_707 = arith.constant 1.000000e+00 : f32
    %logistic3A_708 = vector.broadcast %logistic3A_707 : f32 to vector<64x512xf32>
    %logistic3A_709 = arith.addf %logistic3A_708, %logistic3A_706 : vector<64x512xf32>
    %logistic3A_710 = arith.divf %logistic3A_708, %logistic3A_709 : vector<64x512xf32>
    %slice3A_711 = vector.extract_strided_slice %convert_element_type3A_701 {offsets = [0, 512], sizes = [64, 512], strides = [1, 1]} : vector<64x1536xf32> to vector<64x512xf32>
    %slice3A_712 = vector.extract_strided_slice %dot_general3A_665 {offsets = [0, 512], sizes = [64, 512], strides = [1, 1]} : vector<64x1536xf32> to vector<64x512xf32>
    %add3A_713 = arith.addf %slice3A_711, %slice3A_712 : vector<64x512xf32>
    %logistic3A_714 = arith.negf %add3A_713 : vector<64x512xf32>
    %logistic3A_715 = math.exp %logistic3A_714 : vector<64x512xf32>
    %logistic3A_716 = arith.constant 1.000000e+00 : f32
    %logistic3A_717 = vector.broadcast %logistic3A_716 : f32 to vector<64x512xf32>
    %logistic3A_718 = arith.addf %logistic3A_717, %logistic3A_715 : vector<64x512xf32>
    %logistic3A_719 = arith.divf %logistic3A_717, %logistic3A_718 : vector<64x512xf32>
    %slice3A_720 = vector.extract_strided_slice %convert_element_type3A_701 {offsets = [0, 1024], sizes = [64, 512], strides = [1, 1]} : vector<64x1536xf32> to vector<64x512xf32>
    %slice3A_721 = vector.extract_strided_slice %dot_general3A_665 {offsets = [0, 1024], sizes = [64, 512], strides = [1, 1]} : vector<64x1536xf32> to vector<64x512xf32>
    %get3A_722 = arith.constant 0 : index
    %get3A_723 = arith.constant 0 : index
    %get3A_724 = vector.load %arg6[%get3A_722, %get3A_723] : memref<1x512xf32, #tpu.memory_space<vmem>>, vector<1x512xf32>
    %add3A_725 = vector.broadcast %get3A_724 : vector<1x512xf32> to vector<64x512xf32>
    %add3A_726 = arith.addf %slice3A_721, %add3A_725 : vector<64x512xf32>
    %mul3A_727 = arith.mulf %logistic3A_710, %add3A_726 : vector<64x512xf32>
    %add3A_728 = arith.addf %slice3A_720, %mul3A_727 : vector<64x512xf32>
    %tanh3A_729 = math.tanh %add3A_728 : vector<64x512xf32>
    %sub3A_730 = arith.constant 1.000000e+00 : f32
    %sub3A_731 = vector.broadcast %sub3A_730 : f32 to vector<64x512xf32>
    %sub3A_732 = arith.subf %sub3A_731, %logistic3A_719 : vector<64x512xf32>
    %mul3A_733 = arith.mulf %sub3A_732, %tanh3A_729 : vector<64x512xf32>
    %mul3A_734 = arith.mulf %logistic3A_719, %add3A_643 : vector<64x512xf32>
    %add3A_735 = arith.addf %mul3A_733, %mul3A_734 : vector<64x512xf32>
    %swap3A = arith.constant 0 : index
    %swap3A_736 = arith.constant 0 : index
    %swap3A_737 = vector.load %arg10[%swap3A, %swap3A_736] : memref<64x512xf32, #tpu.memory_space<vmem>>, vector<64x512xf32>
    tpu.vector_store %arg10[%swap3A, %swap3A_736], %add3A_700 {strides = array<i32>} : memref<64x512xf32, #tpu.memory_space<vmem>>, vector<64x512xf32>,
    %swap3A_738 = arith.constant 0 : index
    %swap3A_739 = arith.constant 0 : index
    %swap3A_740 = vector.load %arg11[%swap3A_738, %swap3A_739] : memref<64x512xf32, #tpu.memory_space<vmem>>, vector<64x512xf32>
    tpu.vector_store %arg11[%swap3A_738, %swap3A_739], %add3A_735 {strides = array<i32>} : memref<64x512xf32, #tpu.memory_space<vmem>>, vector<64x512xf32>,
    %eq3A_741 = arith.constant 24 : i32
    %eq3A_742 = arith.cmpi eq, %arg0, %eq3A_741 : i32
    %convert_element_type3A_743 = arith.extui %eq3A_742 : i1 to i32
    %cond3A_744 = arith.constant 0 : i32
    %cond3A_745 = arith.cmpi ne, %convert_element_type3A_743, %cond3A_744 : i32
    scf.if %cond3A_745 {
      %get3A_746 = arith.constant 0 : index
      %get3A_747 = arith.constant 0 : index
      %get3A_748 = vector.load %arg7[%get3A_746, %get3A_747] : memref<1x1024xf32, #tpu.memory_space<vmem>>, vector<1x512xf32>
      %get3A_749 = vector.shape_cast %get3A_748 : vector<1x512xf32> to vector<512xf32>
      %broadcast_in_dim3A = vector.shape_cast %get3A_749 : vector<512xf32> to vector<1x512xf32>
      %get3A_750 = arith.constant 0 : index
      %get3A_751 = arith.constant 512 : index
      %get3A_752 = vector.load %arg7[%get3A_750, %get3A_751] : memref<1x1024xf32, #tpu.memory_space<vmem>>, vector<1x512xf32>
      %get3A_753 = vector.shape_cast %get3A_752 : vector<1x512xf32> to vector<512xf32>
      %broadcast_in_dim3A_754 = vector.shape_cast %get3A_753 : vector<512xf32> to vector<1x512xf32>
      %mul3A_755 = vector.broadcast %broadcast_in_dim3A : vector<1x512xf32> to vector<64x512xf32>
      %mul3A_756 = arith.mulf %add3A_700, %mul3A_755 : vector<64x512xf32>
      %reduce_sum3A = arith.constant dense<0.000000e+00> : vector<64xf32>
      %reduce_sum3A_757 = vector.multi_reduction <add>, %mul3A_756, %reduce_sum3A [1] : vector<64x512xf32> to vector<64xf32>
      %broadcast_in_dim3A_758 = vector.shape_cast %reduce_sum3A_757 : vector<64xf32> to vector<64x1xf32>
      %mul3A_759 = vector.broadcast %broadcast_in_dim3A_754 : vector<1x512xf32> to vector<64x512xf32>
      %mul3A_760 = arith.mulf %add3A_735, %mul3A_759 : vector<64x512xf32>
      %reduce_sum3A_761 = arith.constant dense<0.000000e+00> : vector<64xf32>
      %reduce_sum3A_762 = vector.multi_reduction <add>, %mul3A_760, %reduce_sum3A_761 [1] : vector<64x512xf32> to vector<64xf32>
      %broadcast_in_dim3A_763 = vector.shape_cast %reduce_sum3A_762 : vector<64xf32> to vector<64x1xf32>
      %add3A_764 = arith.addf %broadcast_in_dim3A_758, %broadcast_in_dim3A_763 : vector<64x1xf32>
      %get3A_765 = arith.constant 0 : index
      %get3A_766 = arith.constant 0 : index
      %get3A_767 = vector.load %arg8[%get3A_765, %get3A_766] : memref<1x1xf32, #tpu.memory_space<vmem>>, vector<1x1xf32>
      %get3A_768 = vector.extract %get3A_767[0, 0] : f32 from vector<1x1xf32>
      %add3A_769 = vector.broadcast %get3A_768 : f32 to vector<64x1xf32>
      %add3A_770 = arith.addf %add3A_764, %add3A_769 : vector<64x1xf32>
      %logistic3A_771 = arith.negf %add3A_770 : vector<64x1xf32>
      %logistic3A_772 = math.exp %logistic3A_771 : vector<64x1xf32>
      %logistic3A_773 = arith.constant 1.000000e+00 : f32
      %logistic3A_774 = vector.broadcast %logistic3A_773 : f32 to vector<64x1xf32>
      %logistic3A_775 = arith.addf %logistic3A_774, %logistic3A_772 : vector<64x1xf32>
      %logistic3A_776 = arith.divf %logistic3A_774, %logistic3A_775 : vector<64x1xf32>
      %swap3A_777 = arith.constant 0 : index
      %swap3A_778 = arith.constant 0 : index
      %swap3A_779 = vector.load %arg9[%swap3A_777, %swap3A_778] : memref<64x1xf32, #tpu.memory_space<vmem>>, vector<64x1xf32>
      tpu.vector_store %arg9[%swap3A_777, %swap3A_778], %logistic3A_776 {strides = array<i32>} : memref<64x1xf32, #tpu.memory_space<vmem>>, vector<64x1xf32>,
    } else {
    }
    return
  }
  func.func @transform_0(%arg0: i32) -> (i32, i32, i32) {
    %c0_i32 = arith.constant 0 : i32
    %c0_i32_0 = arith.constant 0 : i32
    %c0_i32_1 = arith.constant 0 : i32
    return %arg0, %c0_i32, %c0_i32_0 : i32, i32, i32
  }
  func.func @transform_1(%arg0: i32) -> (i32, i32, i32) {
    %sub3A = arith.constant 24 : i32
    %sub3A_0 = arith.subi %sub3A, %arg0 : i32
    %c0_i32 = arith.constant 0 : i32
    %c1_i32 = arith.constant 1 : i32
    %c0_i32_1 = arith.constant 0 : i32
    return %sub3A_0, %c0_i32, %c1_i32 : i32, i32, i32
  }
  func.func @transform_2(%arg0: i32) -> (i32, i32) {
    %c0_i32 = arith.constant 0 : i32
    %c0_i32_0 = arith.constant 0 : i32
    %c0_i32_1 = arith.constant 0 : i32
    return %c0_i32, %c0_i32_0 : i32, i32
  }
  func.func @transform_3(%arg0: i32) -> (i32, i32) {
    %c0_i32 = arith.constant 0 : i32
    %c0_i32_0 = arith.constant 0 : i32
    %c0_i32_1 = arith.constant 0 : i32
    return %c0_i32, %c0_i32_0 : i32, i32
  }
  func.func @transform_4(%arg0: i32) -> (i32, i32) {
    %c0_i32 = arith.constant 0 : i32
    %c0_i32_0 = arith.constant 0 : i32
    %c0_i32_1 = arith.constant 0 : i32
    return %c0_i32, %c0_i32_0 : i32, i32
  }
  func.func @transform_5(%arg0: i32) -> (i32, i32) {
    %c0_i32 = arith.constant 0 : i32
    %c0_i32_0 = arith.constant 0 : i32
    %c0_i32_1 = arith.constant 0 : i32
    return %c0_i32, %c0_i32_0 : i32, i32
  }
  func.func @transform_6(%arg0: i32) -> (i32, i32) {
    %c0_i32 = arith.constant 0 : i32
    %c0_i32_0 = arith.constant 0 : i32
    %c0_i32_1 = arith.constant 0 : i32
    return %c0_i32, %c0_i32_0 : i32, i32
  }
  func.func @transform_7(%arg0: i32) -> (i32, i32) {
    %c0_i32 = arith.constant 0 : i32
    %c0_i32_0 = arith.constant 0 : i32
    %c0_i32_1 = arith.constant 0 : i32
    return %c0_i32, %c0_i32_0 : i32, i32
  }
  func.func @transform_8(%arg0: i32) -> (i32, i32) {
    %c0_i32 = arith.constant 0 : i32
    %c0_i32_0 = arith.constant 0 : i32
    %c0_i32_1 = arith.constant 0 : i32
    return %c0_i32, %c0_i32_0 : i32, i32
  }
}

</mosaic_0001>

<sc_bundles>
// kernel: kernel.6.cloned.1.call-start
scs
__scs_entry_jumppad:
0x0: {  	(pc) =	sbr.rel $0x88, $3  }
0x1: {  	(tag) =	ssettag $0x0;
	lr =	simm.s32 $0x1  }
0x2: {  	[smem:$0x3F95] =	sst lr;
	_ =	strace $0xD0000000  }
0x3: {  	_ = 	snop  }
0x4: {  	_ = 	snop  }
0x5: {  	_ = 	snop  }
0x6: {  	_ = 	snop  }
0x7: {  	_ = 	snop  }
__scs_overlays_trampoline_lowered:
0x8: {  	[smem:$0x3FA4] =	sst s0  }
0x9: {  	[smem:$0x3FA5] =	sst s1  }
0xa: {  	[smem:$0x3FA6] =	sst s2  }
0xb: {  	[smem:$0x3FA7] =	sst s3  }
0xc: {  	[smem:$0x3FA8] =	sst s4  }
0xd: {  	[smem:$0x3FA9] =	sst s5  }
0xe: {  	[smem:$0x3FAA] =	sst s6  }
0xf: {  	[smem:$0x3FAB] =	sst s7  }
0x10: {  	[smem:$0x3FAC] =	sst s8  }
0x11: {  	[smem:$0x3FAD] =	sst s9;
	s0 =	simm.s32 @!p0 $0x0  }
0x12: {  	s1 =	sld [smem:$0x3F93];
	s0 =	simm.s32 @p0 $0x1  }
0x13: {  	[smem:$0x3FAE] =	sst s0;
	s0 =	simm.s32 @!p1 $0x0  }
0x14: {  	s2 =	sld [smem:$0x3F92];
	s0 =	simm.s32 @p1 $0x1  }
0x15: {  	[smem:$0x3FAF] =	sst s0;
	s0 =	simm.s32 @!p2 $0x0  }
0x16: {  	s3 =	sld [smem:$0x3FDB];
	s0 =	simm.s32 @p2 $0x1  }
0x17: {  	s4 =	simm.s32 $0x1BF5;
	[smem:$0x3FB1] =	sst s0  }
0x18: {  	s0 =	sld [smem:$0x3F94];
	_ =	swait.ge [sflag:s4], $0x0  }
0x19: {  	s7 =	sld [smem:$0x3F95]  }
0x1a: {  	s8 =	sadd.s32 $0xFFFFE003, lr  }
0x1b: {  	s9 =	sadd.s32 $0xFFFFFEF7, lr;
	s5 =	simm.s32 $0xFFFFFFFF;
	p2 =	slt.u32 s8, $0xFFFFF086  }
0x1c: {  	p1 =	slt.u32 s9, $0xF7A;
	s5 =	simm.s32 @!p2 $0x0  }
0x1d: {  	s5 =	simm.s32 @p1 $0x1;
	p0 =	seq.s32 s7, s2  }
0x1e: {  	s7 =	smul.u32 @!p0 $0xF7A, s2;
	p2 =	seq.s32 @!p0 s5, $0x0  }
0x1f: {  	s9 =	smul.u32 $0xF7A, s1;
	s8 =	simm.s32 @!p0 $0x1BF5;
	p2 =	por !p2, p0  }
0x20: {  	[sflag:s8] =	ssyncset.s32 @!p0 $0xFFFFF086;
	s6 =	sadd.s32 @!p0 s3, s7;
	s7 =	simm.s32 @!p0 $0x108  }
0x21: {  	s3 =	sadd.s32 s3, s9;
	s6 =	sadd.s32 @!p0 $0x88, s6;
	s7 =	simm.s32 @p2 $0x1082  }
0x22: {  	[simem:s7], [sflag:s8] =	dma.local @!p0 [hbm:s6], $0xF7A  }
0x23: {  	s9 =	sor.u32 $0xD0000000, s2;
	s6 =	simm.s32 $0x108;
	_ =	swait.ge @!p0 [sflag:s8], $0x0  }
0x24: {  	s3 =	sadd.s32 $0x88, s3;
	s6 =	simm.s32 @!p1 $0x1082;
	[sflag:s4] =	ssyncset.s32 $0xFFFFF086  }
0x25: {  	[simem:s6], [sflag:s4] =	dma.local [hbm:s3], $0xF7A  }
0x26: {  	[smem:$0x3F95] =	sst s1;
	(tag) =	ssettag s2;
	_ =	strace s9  }
0x27: {  	s1 =	sld [smem:$0x3FA5]  }
0x28: {  	s2 =	sld [smem:$0x3FA6]  }
0x29: {  	s4 =	sld [smem:$0x3FA8]  }
0x2a: {  	p0 =	seq.s32 s5, $0x0;
	s5 =	sld [smem:$0x3FA9]  }
0x2b: {  	s6 =	sld [smem:$0x3FAA]  }
0x2c: {  	s7 =	sld [smem:$0x3FAB]  }
0x2d: {  	s3 =	simm.s32 $0x108;
	s8 =	sld [smem:$0x3FAC]  }
0x2e: {  	s3 =	simm.s32 @!p0 $0x1082;
	s9 =	sld [smem:$0x3FAD]  }
0x2f: {  	lr =	sadd.s32 s0, s3;
	s0 =	sld [smem:$0x3FA4]  }
0x30: {  	s3 =	sld [smem:$0x3FA7]  }
0x31: {  	[smem:$0x3FB0] =	sst s10  }
0x32: {  	s10 =	sld [smem:$0x3FAE];
	_ =	sdelay $0x3  }
0x33: {  	p0 =	seq.s32 s10, $0x1;
	s10 =	sld [smem:$0x3FB0];
	_ =	sdelay $0x3  }
0x34: {  	[smem:$0x3FB0] =	sst s10  }
0x35: {  	s10 =	sld [smem:$0x3FAF];
	_ =	sdelay $0x3  }
0x36: {  	p1 =	seq.s32 s10, $0x1;
	s10 =	sld [smem:$0x3FB0];
	_ =	sdelay $0x3  }
0x37: {  	[smem:$0x3FB0] =	sst s10  }
0x38: {  	s10 =	sld [smem:$0x3FB1]  }
0x39: {  	_ = 	snop;
	(pc) =	sbr.ind lr, $3  }
0x3a: {  	_ = 	snop  }
0x3b: {  	_ = 	snop  }
0x3c: {  	p2 =	seq.s32 s10, $0x1;
	s10 =	sld [smem:$0x3FB0]  }
0x3d: {  	_ =	shalt  }
0x3e: {  	_ =	shalt  }
0x3f: {  	_ =	shalt  }
0x40: {  	_ =	shalt  }
0x41: {  	_ =	shalt  }
0x42: {  	_ =	shalt  }
0x43: {  	_ =	shalt  }
0x44: {  	_ =	shalt  }
0x45: {  	_ =	shalt  }
0x46: {  	_ =	shalt  }
0x47: {  	_ =	shalt  }
0x48: {  	_ =	shalt  }
0x49: {  	_ =	shalt  }
0x4a: {  	_ =	shalt  }
0x4b: {  	_ =	shalt  }
0x4c: {  	_ =	shalt  }
0x4d: {  	_ =	shalt  }
0x4e: {  	_ =	shalt  }
0x4f: {  	_ =	shalt  }
0x50: {  	_ =	shalt  }
0x51: {  	_ =	shalt  }
0x52: {  	_ =	shalt  }
0x53: {  	_ =	shalt  }
0x54: {  	_ =	shalt  }
0x55: {  	_ =	shalt  }
0x56: {  	_ =	shalt  }
0x57: {  	_ =	shalt  }
0x58: {  	_ =	shalt  }
0x59: {  	_ =	shalt  }
0x5a: {  	_ =	shalt  }
0x5b: {  	_ =	shalt  }
0x5c: {  	_ =	shalt  }
0x5d: {  	_ =	shalt  }
0x5e: {  	_ =	shalt  }
0x5f: {  	_ =	shalt  }
0x60: {  	_ =	shalt  }
0x61: {  	_ =	shalt  }
0x62: {  	_ =	shalt  }
0x63: {  	_ =	shalt  }
0x64: {  	_ =	shalt  }
0x65: {  	_ =	shalt  }
0x66: {  	_ =	shalt  }
0x67: {  	_ =	shalt  }
0x68: {  	_ =	shalt  }
0x69: {  	_ =	shalt  }
0x6a: {  	_ =	shalt  }
0x6b: {  	_ =	shalt  }
0x6c: {  	_ =	shalt  }
0x6d: {  	_ =	shalt  }
0x6e: {  	_ =	shalt  }
0x6f: {  	_ =	shalt  }
0x70: {  	_ =	shalt  }
0x71: {  	_ =	shalt  }
0x72: {  	_ =	shalt  }
0x73: {  	_ =	shalt  }
0x74: {  	_ =	shalt  }
0x75: {  	_ =	shalt  }
0x76: {  	_ =	shalt  }
0x77: {  	_ =	shalt  }
0x78: {  	_ =	shalt  }
0x79: {  	_ =	shalt  }
0x7a: {  	_ =	shalt  }
0x7b: {  	_ =	shalt  }
0x7c: {  	_ =	shalt  }
0x7d: {  	_ =	shalt  }
0x7e: {  	_ =	shalt  }
0x7f: {  	_ =	shalt  }
0x80: {  	_ =	shalt  }
0x81: {  	_ =	shalt  }
0x82: {  	_ =	shalt  }
0x83: {  	_ =	shalt  }
0x84: {  	_ =	shalt  }
0x85: {  	_ =	shalt  }
0x86: {  	_ =	shalt  }
0x87: {  	_ =	shalt  }
.Lfunc_end0:
.L_simem_size_0:
called_computation_lowered:
.L_overlay_start_0:
0x88: {  	s2 =	sld [smem:$0x3FD9]  }
0x89: {  	s3 =	sld [smem:$0x3FFE];
	_ =	sdelay $0x1  }
0x8a: {  	s1 =	srdreg.scid  }
0x8b: {  	s0 =	sand.u32 $0x1, s1  }
0x8c: {  	s16 =	sshll.u32 s0, $0xA;
	s2 =	sadd.s32 s3, s2  }
0x8d: {  	s2 =	sadd.s32 s2, s16  }
0x8e: {  	[smem:$0x3FBC] =	sst s2  }
0x8f: {  	_ = 	snop  }
0x90: {  	(tm) =	ssettm $0x1  }
0x91: {  	s17 =	sld [smem:$0x3FFB];
	_ =	sdelay $0x3  }
0x92: {  	_ =	strace s17  }
0x93: {  	s2 =	sld [smem:$0x3FFC];
	_ =	sdelay $0x3  }
0x94: {  	_ =	strace s2  }
0x95: {  	s2 =	sld [smem:$0x3FFD];
	_ =	sdelay $0x3  }
0x96: {  	_ =	strace s2  }
0x97: {  	_ =	strace $0x8FFFFFFF  }
0x98: {  	s18 =	sld [smem:$0x3FDB];
	_ =	sdelay $0x1  }
0x99: {  	s19 =	simm.s32 $_scs_section_size  }
0x9a: {  	s4 =	simm.s32 $_size__tile_overlayer_lowered;
	s5 =	simm.s32 $_tile_overlayer_lowered  }
0x9b: {  	s22 =	simm.s32 $0x1BFF;
	s21 =	sshll.u32 s5, $0x1;
	s2 =	sadd.s32 s19, s18  }
0x9c: {  	s6 =	simm.s32 $0x0;
	s20 =	sshll.u32 s4, $0x1;
	s4 =	sadd.s32 s21, s2  }
0x9d: {  	[timem:s6], [sflag:s22] =	dma.local [hbm:s4], s20  }
0x9e: {  	_ =	swait.ge [sflag:s22], s20  }
0x9f: {  	s3 =	ssub.s32 $0x0, s20;
	[sflag:s22] =	ssyncset.done $0x0  }
0xa0: {  	[sflag:s22] =	ssyncadd.s32 s3;
	_ =	sdelay $0x1  }
0xa1: {  	s23 =	simm.s32 $0x1B8B  }
0xa2: {  	_ =	swait.ge [sflag:s23], $0x1  }
0xa3: {  	[sflag:s23] =	ssyncset.done $0x0  }
0xa4: {  	s25 =	simm.s32 $0x1B8E;
	s24 =	sld [smem:$0x3FFE];
	[sflag:s23] =	ssyncadd.s32 $0xFFFFFFFF  }
0xa5: {  	s26 =	simm.s32 $execute0_lowered;
	[smem:$0x3FD2] =	sst s25  }
0xa6: {  	s4 =	sshll.u32 s26, $0x1;
	_ =	strace $0x80000046;
	[dreg:$0x1] =	wrdreg $0xFFFFFFFF  }
0xa7: {  	s28 =	simm.s32 $_size_execute0_lowered;
	s2 =	sadd.s32 s2, s4;
	[dreg:$0x0] =	wrdreg $0x0  }
0xa8: {  	s4 =	sshll.u32 s28, $0x1;
	[dreg:$0x2] =	wrdreg s2  }
0xa9: {  	[dreg:$0x3] =	wrdreg s4  }
0xaa: {  	[dreg:$0x4] =	wrdreg $0xC0  }
0xab: {  	_ =	task [dreg:s6], $0x5FFFF  }
0xac: {  	[dreg:$0x1] =	wrdreg $0xFFFFFFFF  }
0xad: {  	[dreg:$0x0] =	wrdreg $0x60  }
0xae: {  	[dreg:$0x2] =	wrdreg s24  }
0xaf: {  	[dreg:$0x3] =	wrdreg $0x9  }
0xb0: {  	_ =	task.clear_ibuf [dreg:s6], $0x4FFFF;
	_ =	strace $0x90000046  }
0xb1: {  	s29 =	simm.s32 $0x9;
	_ =	strace $0x80000048  }
0xb2: {  	_ =	swait.ge [sflag:s29], $0x1  }
0xb3: {  	[sflag:s29] =	ssyncadd.s32 $0xFFFFFFFF  }
0xb4: {  	_ =	strace $0x90000048  }
0xb5: {  	_ =	sfence  }
0xb6: {  	s30 =	sld [smem:$0x0];
	_ =	sdelay $0x2  }
0xb7: {  	s31 =	sshll.u32 s1, $0xD;
	s1 =	sshrl.u32 s1, $0x2  }
0xb8: {  	s3 =	sand.u32 $0x4000, s31;
	s1 =	sadd.s32 s1, s30  }
0xb9: {  	s0 =	sor.u32 s3, s0;
	s1 =	sshll.u32 s1, $0x11  }
0xba: {  	s0 =	sor.u32 s1, s0  }
0xbb: {  	s0 =	sadd.s32 $0x8F2B, s0  }
0xbc: {  	[sflag:s0] =	ssyncadd.remote.s32 $0x1  }
0xbd: {  	_ =	sfence.sel $0xFFFF  }
0xbe: {  	[dreg:$0x0] =	wrdreg $0xFFFFFFFF;
	(pc) =	sbr.abs _section_cstart, $3  }
0xbf: {  	[dreg:$0x1] =	wrdreg $0xFFFFFFFF  }
0xc0: {  	_ =	task.clear_ibuf [dreg:s6], $0x2FFFF;
	_ =	strace $0x9FFFFFFF  }
0xc1: {  	(tm) =	ssettm $0x7FFFFFFF  }
tec
execute0_lowered:
.L_overlay_start_1:
0x0: {  	(tag) =	ssettag $0x1  }
0x1: {  	s1 =	srdreg.scid  }
0x2: {  	s0 =	stileid.u32;
	s5 =	rddreg [dreg:$0x0]  }
0x3: {  	s10 =	simm.s32 $0x2;
	s11 =	simm.s32 $0x400;
	s12 =	simm.s32 $0xC00  }
0x4: {  	s13 =	simm.s32 $0x1000;
	s14 =	simm.s32 $0x1800;
	s15 =	simm.s32 $0x1C00  }
0x5: {  	s16 =	simm.s32 $0x2400;
	s17 =	simm.s32 $0x2800;
	s18 =	simm.s32 $0x3000  }
0x6: {  	s19 =	simm.s32 $0x3400;
	s20 =	simm.s32 $0x3C00;
	s21 =	simm.s32 $0x4000  }
0x7: {  	s22 =	simm.s32 $0x4800;
	s23 =	simm.s32 $0x4C00;
	s24 =	simm.s32 $0x5400  }
0x8: {  	s28 =	simm.s32 $0x6400;
	s29 =	simm.s32 $0x6C00;
	s30 =	simm.s32 $0x7000  }
0x9: {  	s31 =	simm.s32 $0x7800;
	s1 =	sand.u32 $0x1, s1;
	s2 =	sshll.u32 s0, $0x1  }
0xa: {  	s3 =	sor.u32 s1, s2;
	s2 =	simm.s32 $0x0;
	s1 =	ssub.s32 $0x2, s1  }
0xb: {  	s4 =	smul.u32 $0x190, s3;
	[smem:$0x7FF] =	sst s2;
	s6 =	sshll.u32 s3, $0x7  }
0xc: {  	s3 =	sadd.s32 $0x496000, s5;
	s26 =	sshrl.u32 s1, $0x1;
	_ =	strace $0x80000047  }
0xd: {  	s6 =	sadd.s32 s6, s5;
	s1 =	ssub.s32 s1, s26;
	s4 =	sshrl.u32 s4, $0x3  }
0xe: {  	s26 =	simm.s32 $0x6000;
	s25 =	sadd.s32 $0x2200, s6;
	s4 =	smul.u32 $0x180, s4  }
0xf: {  	s9 =	smax.u32 s1, $0x1;
	s1 =	simm.s32 $0x1;
	[dreg:$0x2] =	wrdreg s25  }
0x10: {  	v2 =	vlaneseq.u32;
	s25 =	simm.s32 $0x5800;
	s8 =	sadd.s32 s4, s5;
	s4 =	sadd.s32 $0x496100, s5  }
0x11: {  	vm0 =	vmmov $0xffff;
	vm1 =	vmmov $0xff;
	v1 =	vshrl.u32 v2, $0x3;
	s7 =	sadd.s32 $0x3200, s8;
	s5 =	sadd.s32 $0x4100, s8;
	s6 =	sadd.s32 $0x5000, s8  }
0x12: {  	v0 =	vand.u32 $0x7, v2;
	v2 =	vor.u32 $0x8, v2;
	v1 =	vmul.u32 $0x8, v1;
	[dreg:$0x3] =	wrdreg s7;
	s7 =	sadd.s32 $0x5F00, s8;
	s8 =	sadd.s32 $0x6E00, s8  }
.LBB2_1:
0x13: {  	s0 =	rddreg [dreg:$0x2]  }
0x14: {  	[tilespmem:s2], [sflag:$0x2] =	stream.linear.gather [hbm4b:s0+s2], $0x280, $0x38;
	[tilespmem:$0x7C00] =	vst v63  }
0x15: {  	_ =	swait.ge [sflag:s10], $0x280  }
0x16: {  	[sflag:s10] =	ssyncset.done $0x0  }
0x17: {  	[sflag:s10] =	ssyncadd.s32 $0xFFFFFD80  }
0x18: {  	v3 =	vld [tilespmem:$0x0];
	_ =	sdelay $0x4  }
0x19: {  	v4 =	vshrl.u32 v3, $0x3  }
0x1a: {  	v4 =	vmul.u32 $0x18, v4  }
0x1b: {  	v3 =	vand.u32 $0x7, v3  }
0x1c: {  	v3 =	vor.u32 v3, v4  }
0x1d: {  	v4 =	vperm.xlane v3, v0;
	_ =	sdelay $0x1  }
0x1e: {  	v4 =	vadd.s32 v1, v4;
	_ =	sdelay $0x1  }
0x1f: {  	v3 =	vperm.xlane v3, v2;
	_ =	sdelay $0x1  }
0x20: {  	v3 =	vadd.s32 v1, v3  }
0x21: {  	[tilespmem:s11], [sflag:$0x1] =	stream.indirect_vreg.gather [hbm4b:s3+s2], $0x80, v4, vm0, $0xb8;
	[tilespmem:$0x7C00] =	vst v63  }
0x22: {  	_ = 	snop  }
0x23: {  	[tilespmem:s12], [sflag:$0x1] =	stream.indirect_vreg.gather [hbm4b:s4+s2], $0x80, v4, vm1, $0xb8;
	[tilespmem:$0x7C00] =	vst v63  }
0x24: {  	_ = 	snop  }
0x25: {  	[tilespmem:s13], [sflag:$0x1] =	stream.indirect_vreg.gather [hbm4b:s3+s2], $0x80, v3, vm0, $0xb8;
	[tilespmem:$0x7C00] =	vst v63  }
0x26: {  	_ = 	snop  }
0x27: {  	[tilespmem:s14], [sflag:$0x1] =	stream.indirect_vreg.gather [hbm4b:s4+s2], $0x80, v3, vm1, $0xb8;
	[tilespmem:$0x7C00] =	vst v63  }
0x28: {  	v3 =	vld [tilespmem:$0x10];
	_ =	sdelay $0x4  }
0x29: {  	v40 =	vshrl.u32 v3, $0x3  }
0x2a: {  	v4 =	vmul.u32 $0x18, v40  }
0x2b: {  	v3 =	vand.u32 $0x7, v3  }
0x2c: {  	v3 =	vor.u32 v3, v4  }
0x2d: {  	v4 =	vperm.xlane v3, v0;
	_ =	sdelay $0x1  }
0x2e: {  	v4 =	vadd.s32 v1, v4;
	_ =	sdelay $0x1  }
0x2f: {  	v3 =	vperm.xlane v3, v2;
	_ =	sdelay $0x1  }
0x30: {  	v3 =	vadd.s32 v1, v3  }
0x31: {  	[tilespmem:s15], [sflag:$0x1] =	stream.indirect_vreg.gather [hbm4b:s3+s2], $0x80, v4, vm0, $0xb8;
	[tilespmem:$0x7C00] =	vst v63  }
0x32: {  	_ = 	snop  }
0x33: {  	[tilespmem:s16], [sflag:$0x1] =	stream.indirect_vreg.gather [hbm4b:s4+s2], $0x80, v4, vm1, $0xb8;
	[tilespmem:$0x7C00] =	vst v63  }
0x34: {  	_ = 	snop  }
0x35: {  	[tilespmem:s17], [sflag:$0x1] =	stream.indirect_vreg.gather [hbm4b:s3+s2], $0x80, v3, vm0, $0xb8;
	[tilespmem:$0x7C00] =	vst v63  }
0x36: {  	_ = 	snop  }
0x37: {  	[tilespmem:s18], [sflag:$0x1] =	stream.indirect_vreg.gather [hbm4b:s4+s2], $0x80, v3, vm1, $0xb8;
	[tilespmem:$0x7C00] =	vst v63  }
0x38: {  	v3 =	vld [tilespmem:$0x20];
	_ =	sdelay $0x4  }
0x39: {  	v41 =	vshrl.u32 v3, $0x3  }
0x3a: {  	v4 =	vmul.u32 $0x18, v41  }
0x3b: {  	v3 =	vand.u32 $0x7, v3  }
0x3c: {  	v3 =	vor.u32 v3, v4  }
0x3d: {  	v4 =	vperm.xlane v3, v0;
	_ =	sdelay $0x1  }
0x3e: {  	v4 =	vadd.s32 v1, v4;
	_ =	sdelay $0x1  }
0x3f: {  	v3 =	vperm.xlane v3, v2;
	_ =	sdelay $0x1  }
0x40: {  	v3 =	vadd.s32 v1, v3  }
0x41: {  	[tilespmem:s19], [sflag:$0x1] =	stream.indirect_vreg.gather [hbm4b:s3+s2], $0x80, v4, vm0, $0xb8;
	[tilespmem:$0x7C00] =	vst v63  }
0x42: {  	_ = 	snop  }
0x43: {  	[tilespmem:s20], [sflag:$0x1] =	stream.indirect_vreg.gather [hbm4b:s4+s2], $0x80, v4, vm1, $0xb8;
	[tilespmem:$0x7C00] =	vst v63  }
0x44: {  	_ = 	snop  }
0x45: {  	[tilespmem:s21], [sflag:$0x1] =	stream.indirect_vreg.gather [hbm4b:s3+s2], $0x80, v3, vm0, $0xb8;
	[tilespmem:$0x7C00] =	vst v63  }
0x46: {  	_ = 	snop  }
0x47: {  	[tilespmem:s22], [sflag:$0x1] =	stream.indirect_vreg.gather [hbm4b:s4+s2], $0x80, v3, vm1, $0xb8;
	[tilespmem:$0x7C00] =	vst v63  }
0x48: {  	v3 =	vld [tilespmem:$0x30];
	_ =	sdelay $0x4  }
0x49: {  	v42 =	vshrl.u32 v3, $0x3  }
0x4a: {  	v4 =	vmul.u32 $0x18, v42  }
0x4b: {  	v3 =	vand.u32 $0x7, v3  }
0x4c: {  	v3 =	vor.u32 v3, v4  }
0x4d: {  	v4 =	vperm.xlane v3, v0;
	_ =	sdelay $0x1  }
0x4e: {  	v4 =	vadd.s32 v1, v4;
	_ =	sdelay $0x1  }
0x4f: {  	v3 =	vperm.xlane v3, v2;
	_ =	sdelay $0x1  }
0x50: {  	v3 =	vadd.s32 v1, v3  }
0x51: {  	[tilespmem:s23], [sflag:$0x1] =	stream.indirect_vreg.gather [hbm4b:s3+s2], $0x80, v4, vm0, $0xb8;
	[tilespmem:$0x7C00] =	vst v63  }
0x52: {  	_ = 	snop  }
0x53: {  	[tilespmem:s24], [sflag:$0x1] =	stream.indirect_vreg.gather [hbm4b:s4+s2], $0x80, v4, vm1, $0xb8;
	[tilespmem:$0x7C00] =	vst v63  }
0x54: {  	_ = 	snop  }
0x55: {  	[tilespmem:s25], [sflag:$0x1] =	stream.indirect_vreg.gather [hbm4b:s3+s2], $0x80, v3, vm0, $0xb8;
	[tilespmem:$0x7C00] =	vst v63  }
0x56: {  	_ = 	snop  }
0x57: {  	[tilespmem:s26], [sflag:$0x1] =	stream.indirect_vreg.gather [hbm4b:s4+s2], $0x80, v3, vm1, $0xb8;
	[tilespmem:$0x7C00] =	vst v63  }
0x58: {  	v3 =	vld [tilespmem:$0x40];
	_ =	sdelay $0x4  }
0x59: {  	v43 =	vshrl.u32 v3, $0x3  }
0x5a: {  	v4 =	vmul.u32 $0x18, v43  }
0x5b: {  	v3 =	vand.u32 $0x7, v3  }
0x5c: {  	v3 =	vor.u32 v3, v4  }
0x5d: {  	v4 =	vperm.xlane v3, v0;
	_ =	sdelay $0x1  }
0x5e: {  	v4 =	vadd.s32 v1, v4;
	_ =	sdelay $0x1  }
0x5f: {  	v3 =	vperm.xlane v3, v2;
	_ =	sdelay $0x1  }
0x60: {  	v3 =	vadd.s32 v1, v3  }
0x61: {  	[tilespmem:s28], [sflag:$0x1] =	stream.indirect_vreg.gather [hbm4b:s3+s2], $0x80, v4, vm0, $0xb8;
	[tilespmem:$0x7C00] =	vst v63  }
0x62: {  	_ = 	snop  }
0x63: {  	[tilespmem:s29], [sflag:$0x1] =	stream.indirect_vreg.gather [hbm4b:s4+s2], $0x80, v4, vm1, $0xb8;
	[tilespmem:$0x7C00] =	vst v63  }
0x64: {  	_ = 	snop  }
0x65: {  	[tilespmem:s30], [sflag:$0x1] =	stream.indirect_vreg.gather [hbm4b:s3+s2], $0x80, v3, vm0, $0xb8;
	[tilespmem:$0x7C00] =	vst v63  }
0x66: {  	_ = 	snop  }
0x67: {  	[tilespmem:s31], [sflag:$0x1] =	stream.indirect_vreg.gather [hbm4b:s4+s2], $0x80, v3, vm1, $0xb8;
	[tilespmem:$0x7C00] =	vst v63  }
0x68: {  	_ =	swait.ge [sflag:s1], $0x7800  }
0x69: {  	[sflag:s1] =	ssyncset.done $0x0  }
0x6a: {  	s0 =	rddreg [dreg:$0x3];
	[sflag:s1] =	ssyncadd.s32 $0xFFFF8800  }
0x6b: {  	[hbm4b:s0+s2] =	stream.linear.scatter [tilespmem:s11], [sflag:$0x2], $0x7800, $0x38;
	[tilespmem:$0x7C00] =	vst v63  }
0x6c: {  	_ =	swait.ge [sflag:s10], $0x7800  }
0x6d: {  	[sflag:s10] =	ssyncset.done $0x0  }
0x6e: {  	[sflag:s10] =	ssyncadd.s32 $0xFFFF8800  }
0x6f: {  	v3 =	vld [tilespmem:$0x80];
	_ =	sdelay $0x4  }
0x70: {  	v44 =	vshrl.u32 v3, $0x3  }
0x71: {  	v4 =	vmul.u32 $0x18, v44  }
0x72: {  	v3 =	vand.u32 $0x7, v3  }
0x73: {  	v3 =	vor.u32 v3, v4  }
0x74: {  	v4 =	vperm.xlane v3, v0;
	_ =	sdelay $0x1  }
0x75: {  	v4 =	vadd.s32 v1, v4;
	_ =	sdelay $0x1  }
0x76: {  	v3 =	vperm.xlane v3, v2;
	_ =	sdelay $0x1  }
0x77: {  	v3 =	vadd.s32 v1, v3  }
0x78: {  	[tilespmem:s11], [sflag:$0x1] =	stream.indirect_vreg.gather [hbm4b:s3+s2], $0x80, v4, vm0, $0xb8;
	[tilespmem:$0x7C00] =	vst v63  }
0x79: {  	_ = 	snop  }
0x7a: {  	[tilespmem:s12], [sflag:$0x1] =	stream.indirect_vreg.gather [hbm4b:s4+s2], $0x80, v4, vm1, $0xb8;
	[tilespmem:$0x7C00] =	vst v63  }
0x7b: {  	_ = 	snop  }
0x7c: {  	[tilespmem:s13], [sflag:$0x1] =	stream.indirect_vreg.gather [hbm4b:s3+s2], $0x80, v3, vm0, $0xb8;
	[tilespmem:$0x7C00] =	vst v63  }
0x7d: {  	_ = 	snop  }
0x7e: {  	[tilespmem:s14], [sflag:$0x1] =	stream.indirect_vreg.gather [hbm4b:s4+s2], $0x80, v3, vm1, $0xb8;
	[tilespmem:$0x7C00] =	vst v63  }
0x7f: {  	v3 =	vld [tilespmem:$0x90];
	_ =	sdelay $0x4  }
0x80: {  	v45 =	vshrl.u32 v3, $0x3  }
0x81: {  	v4 =	vmul.u32 $0x18, v45  }
0x82: {  	v3 =	vand.u32 $0x7, v3  }
0x83: {  	v3 =	vor.u32 v3, v4  }
0x84: {  	v4 =	vperm.xlane v3, v0;
	_ =	sdelay $0x1  }
0x85: {  	v4 =	vadd.s32 v1, v4;
	_ =	sdelay $0x1  }
0x86: {  	v3 =	vperm.xlane v3, v2;
	_ =	sdelay $0x1  }
0x87: {  	v3 =	vadd.s32 v1, v3  }
0x88: {  	[tilespmem:s15], [sflag:$0x1] =	stream.indirect_vreg.gather [hbm4b:s3+s2], $0x80, v4, vm0, $0xb8;
	[tilespmem:$0x7C00] =	vst v63  }
0x89: {  	_ = 	snop  }
0x8a: {  	[tilespmem:s16], [sflag:$0x1] =	stream.indirect_vreg.gather [hbm4b:s4+s2], $0x80, v4, vm1, $0xb8;
	[tilespmem:$0x7C00] =	vst v63  }
0x8b: {  	_ = 	snop  }
0x8c: {  	[tilespmem:s17], [sflag:$0x1] =	stream.indirect_vreg.gather [hbm4b:s3+s2], $0x80, v3, vm0, $0xb8;
	[tilespmem:$0x7C00] =	vst v63  }
0x8d: {  	_ = 	snop  }
0x8e: {  	[tilespmem:s18], [sflag:$0x1] =	stream.indirect_vreg.gather [hbm4b:s4+s2], $0x80, v3, vm1, $0xb8;
	[tilespmem:$0x7C00] =	vst v63  }
0x8f: {  	v3 =	vld [tilespmem:$0xA0];
	_ =	sdelay $0x4  }
0x90: {  	v46 =	vshrl.u32 v3, $0x3  }
0x91: {  	v4 =	vmul.u32 $0x18, v46  }
0x92: {  	v3 =	vand.u32 $0x7, v3  }
0x93: {  	v3 =	vor.u32 v3, v4  }
0x94: {  	v4 =	vperm.xlane v3, v0;
	_ =	sdelay $0x1  }
0x95: {  	v4 =	vadd.s32 v1, v4;
	_ =	sdelay $0x1  }
0x96: {  	v3 =	vperm.xlane v3, v2;
	_ =	sdelay $0x1  }
0x97: {  	v3 =	vadd.s32 v1, v3  }
0x98: {  	[tilespmem:s19], [sflag:$0x1] =	stream.indirect_vreg.gather [hbm4b:s3+s2], $0x80, v4, vm0, $0xb8;
	[tilespmem:$0x7C00] =	vst v63  }
0x99: {  	_ = 	snop  }
0x9a: {  	[tilespmem:s20], [sflag:$0x1] =	stream.indirect_vreg.gather [hbm4b:s4+s2], $0x80, v4, vm1, $0xb8;
	[tilespmem:$0x7C00] =	vst v63  }
0x9b: {  	_ = 	snop  }
0x9c: {  	[tilespmem:s21], [sflag:$0x1] =	stream.indirect_vreg.gather [hbm4b:s3+s2], $0x80, v3, vm0, $0xb8;
	[tilespmem:$0x7C00] =	vst v63  }
0x9d: {  	_ = 	snop  }
0x9e: {  	[tilespmem:s22], [sflag:$0x1] =	stream.indirect_vreg.gather [hbm4b:s4+s2], $0x80, v3, vm1, $0xb8;
	[tilespmem:$0x7C00] =	vst v63  }
0x9f: {  	v3 =	vld [tilespmem:$0xB0];
	_ =	sdelay $0x4  }
0xa0: {  	v47 =	vshrl.u32 v3, $0x3  }
0xa1: {  	v4 =	vmul.u32 $0x18, v47  }
0xa2: {  	v3 =	vand.u32 $0x7, v3  }
0xa3: {  	v3 =	vor.u32 v3, v4  }
0xa4: {  	v4 =	vperm.xlane v3, v0;
	_ =	sdelay $0x1  }
0xa5: {  	v4 =	vadd.s32 v1, v4;
	_ =	sdelay $0x1  }
0xa6: {  	v3 =	vperm.xlane v3, v2;
	_ =	sdelay $0x1  }
0xa7: {  	v3 =	vadd.s32 v1, v3  }
0xa8: {  	[tilespmem:s23], [sflag:$0x1] =	stream.indirect_vreg.gather [hbm4b:s3+s2], $0x80, v4, vm0, $0xb8;
	[tilespmem:$0x7C00] =	vst v63  }
0xa9: {  	_ = 	snop  }
0xaa: {  	[tilespmem:s24], [sflag:$0x1] =	stream.indirect_vreg.gather [hbm4b:s4+s2], $0x80, v4, vm1, $0xb8;
	[tilespmem:$0x7C00] =	vst v63  }
0xab: {  	_ = 	snop  }
0xac: {  	[tilespmem:s25], [sflag:$0x1] =	stream.indirect_vreg.gather [hbm4b:s3+s2], $0x80, v3, vm0, $0xb8;
	[tilespmem:$0x7C00] =	vst v63  }
0xad: {  	_ = 	snop  }
0xae: {  	[tilespmem:s26], [sflag:$0x1] =	stream.indirect_vreg.gather [hbm4b:s4+s2], $0x80, v3, vm1, $0xb8;
	[tilespmem:$0x7C00] =	vst v63  }
0xaf: {  	v3 =	vld [tilespmem:$0xC0];
	_ =	sdelay $0x4  }
0xb0: {  	v48 =	vshrl.u32 v3, $0x3  }
0xb1: {  	v4 =	vmul.u32 $0x18, v48  }
0xb2: {  	v3 =	vand.u32 $0x7, v3  }
0xb3: {  	v3 =	vor.u32 v3, v4  }
0xb4: {  	v4 =	vperm.xlane v3, v0;
	_ =	sdelay $0x1  }
0xb5: {  	v4 =	vadd.s32 v1, v4;
	_ =	sdelay $0x1  }
0xb6: {  	v3 =	vperm.xlane v3, v2;
	_ =	sdelay $0x1  }
0xb7: {  	v3 =	vadd.s32 v1, v3  }
0xb8: {  	[tilespmem:s28], [sflag:$0x1] =	stream.indirect_vreg.gather [hbm4b:s3+s2], $0x80, v4, vm0, $0xb8;
	[tilespmem:$0x7C00] =	vst v63  }
0xb9: {  	_ = 	snop  }
0xba: {  	[tilespmem:s29], [sflag:$0x1] =	stream.indirect_vreg.gather [hbm4b:s4+s2], $0x80, v4, vm1, $0xb8;
	[tilespmem:$0x7C00] =	vst v63  }
0xbb: {  	_ = 	snop  }
0xbc: {  	[tilespmem:s30], [sflag:$0x1] =	stream.indirect_vreg.gather [hbm4b:s3+s2], $0x80, v3, vm0, $0xb8;
	[tilespmem:$0x7C00] =	vst v63  }
0xbd: {  	_ = 	snop  }
0xbe: {  	[tilespmem:s31], [sflag:$0x1] =	stream.indirect_vreg.gather [hbm4b:s4+s2], $0x80, v3, vm1, $0xb8;
	[tilespmem:$0x7C00] =	vst v63  }
0xbf: {  	_ =	swait.ge [sflag:s1], $0x7800  }
0xc0: {  	[sflag:s1] =	ssyncset.done $0x0  }
0xc1: {  	[sflag:s1] =	ssyncadd.s32 $0xFFFF8800  }
0xc2: {  	[hbm4b:s5+s2] =	stream.linear.scatter [tilespmem:s11], [sflag:$0x2], $0x7800, $0x38;
	[tilespmem:$0x7C00] =	vst v63  }
0xc3: {  	_ =	swait.ge [sflag:s10], $0x7800  }
0xc4: {  	[sflag:s10] =	ssyncset.done $0x0  }
0xc5: {  	[sflag:s10] =	ssyncadd.s32 $0xFFFF8800  }
0xc6: {  	v3 =	vld [tilespmem:$0x100];
	_ =	sdelay $0x4  }
0xc7: {  	v49 =	vshrl.u32 v3, $0x3  }
0xc8: {  	v4 =	vmul.u32 $0x18, v49  }
0xc9: {  	v3 =	vand.u32 $0x7, v3  }
0xca: {  	v3 =	vor.u32 v3, v4  }
0xcb: {  	v4 =	vperm.xlane v3, v0;
	_ =	sdelay $0x1  }
0xcc: {  	v4 =	vadd.s32 v1, v4;
	_ =	sdelay $0x1  }
0xcd: {  	v3 =	vperm.xlane v3, v2;
	_ =	sdelay $0x1  }
0xce: {  	v3 =	vadd.s32 v1, v3  }
0xcf: {  	[tilespmem:s11], [sflag:$0x1] =	stream.indirect_vreg.gather [hbm4b:s3+s2], $0x80, v4, vm0, $0xb8;
	[tilespmem:$0x7C00] =	vst v63  }
0xd0: {  	_ = 	snop  }
0xd1: {  	[tilespmem:s12], [sflag:$0x1] =	stream.indirect_vreg.gather [hbm4b:s4+s2], $0x80, v4, vm1, $0xb8;
	[tilespmem:$0x7C00] =	vst v63  }
0xd2: {  	_ = 	snop  }
0xd3: {  	[tilespmem:s13], [sflag:$0x1] =	stream.indirect_vreg.gather [hbm4b:s3+s2], $0x80, v3, vm0, $0xb8;
	[tilespmem:$0x7C00] =	vst v63  }
0xd4: {  	_ = 	snop  }
0xd5: {  	[tilespmem:s14], [sflag:$0x1] =	stream.indirect_vreg.gather [hbm4b:s4+s2], $0x80, v3, vm1, $0xb8;
	[tilespmem:$0x7C00] =	vst v63  }
0xd6: {  	v3 =	vld [tilespmem:$0x110];
	_ =	sdelay $0x4  }
0xd7: {  	v50 =	vshrl.u32 v3, $0x3  }
0xd8: {  	v4 =	vmul.u32 $0x18, v50  }
0xd9: {  	v3 =	vand.u32 $0x7, v3  }
0xda: {  	v3 =	vor.u32 v3, v4  }
0xdb: {  	v4 =	vperm.xlane v3, v0;
	_ =	sdelay $0x1  }
0xdc: {  	v4 =	vadd.s32 v1, v4;
	_ =	sdelay $0x1  }
0xdd: {  	v3 =	vperm.xlane v3, v2;
	_ =	sdelay $0x1  }
0xde: {  	v3 =	vadd.s32 v1, v3  }
0xdf: {  	[tilespmem:s15], [sflag:$0x1] =	stream.indirect_vreg.gather [hbm4b:s3+s2], $0x80, v4, vm0, $0xb8;
	[tilespmem:$0x7C00] =	vst v63  }
0xe0: {  	_ = 	snop  }
0xe1: {  	[tilespmem:s16], [sflag:$0x1] =	stream.indirect_vreg.gather [hbm4b:s4+s2], $0x80, v4, vm1, $0xb8;
	[tilespmem:$0x7C00] =	vst v63  }
0xe2: {  	_ = 	snop  }
0xe3: {  	[tilespmem:s17], [sflag:$0x1] =	stream.indirect_vreg.gather [hbm4b:s3+s2], $0x80, v3, vm0, $0xb8;
	[tilespmem:$0x7C00] =	vst v63  }
0xe4: {  	_ = 	snop  }
0xe5: {  	[tilespmem:s18], [sflag:$0x1] =	stream.indirect_vreg.gather [hbm4b:s4+s2], $0x80, v3, vm1, $0xb8;
	[tilespmem:$0x7C00] =	vst v63  }
0xe6: {  	v3 =	vld [tilespmem:$0x120];
	_ =	sdelay $0x4  }
0xe7: {  	v51 =	vshrl.u32 v3, $0x3  }
0xe8: {  	v4 =	vmul.u32 $0x18, v51  }
0xe9: {  	v3 =	vand.u32 $0x7, v3  }
0xea: {  	v3 =	vor.u32 v3, v4  }
0xeb: {  	v4 =	vperm.xlane v3, v0;
	_ =	sdelay $0x1  }
0xec: {  	v4 =	vadd.s32 v1, v4;
	_ =	sdelay $0x1  }
0xed: {  	v3 =	vperm.xlane v3, v2;
	_ =	sdelay $0x1  }
0xee: {  	v3 =	vadd.s32 v1, v3  }
0xef: {  	[tilespmem:s19], [sflag:$0x1] =	stream.indirect_vreg.gather [hbm4b:s3+s2], $0x80, v4, vm0, $0xb8;
	[tilespmem:$0x7C00] =	vst v63  }
0xf0: {  	_ = 	snop  }
0xf1: {  	[tilespmem:s20], [sflag:$0x1] =	stream.indirect_vreg.gather [hbm4b:s4+s2], $0x80, v4, vm1, $0xb8;
	[tilespmem:$0x7C00] =	vst v63  }
0xf2: {  	_ = 	snop  }
0xf3: {  	[tilespmem:s21], [sflag:$0x1] =	stream.indirect_vreg.gather [hbm4b:s3+s2], $0x80, v3, vm0, $0xb8;
	[tilespmem:$0x7C00] =	vst v63  }
0xf4: {  	_ = 	snop  }
0xf5: {  	[tilespmem:s22], [sflag:$0x1] =	stream.indirect_vreg.gather [hbm4b:s4+s2], $0x80, v3, vm1, $0xb8;
	[tilespmem:$0x7C00] =	vst v63  }
0xf6: {  	v3 =	vld [tilespmem:$0x130];
	_ =	sdelay $0x4  }
0xf7: {  	v52 =	vshrl.u32 v3, $0x3  }
0xf8: {  	v4 =	vmul.u32 $0x18, v52  }
0xf9: {  	v3 =	vand.u32 $0x7, v3  }
0xfa: {  	v3 =	vor.u32 v3, v4  }
0xfb: {  	v4 =	vperm.xlane v3, v0;
	_ =	sdelay $0x1  }
0xfc: {  	v4 =	vadd.s32 v1, v4;
	_ =	sdelay $0x1  }
0xfd: {  	v3 =	vperm.xlane v3, v2;
	_ =	sdelay $0x1  }
0xfe: {  	v3 =	vadd.s32 v1, v3  }
0xff: {  	[tilespmem:s23], [sflag:$0x1] =	stream.indirect_vreg.gather [hbm4b:s3+s2], $0x80, v4, vm0, $0xb8;
	[tilespmem:$0x7C00] =	vst v63  }
0x100: {  	_ = 	snop  }
0x101: {  	[tilespmem:s24], [sflag:$0x1] =	stream.indirect_vreg.gather [hbm4b:s4+s2], $0x80, v4, vm1, $0xb8;
	[tilespmem:$0x7C00] =	vst v63  }
0x102: {  	_ = 	snop  }
0x103: {  	[tilespmem:s25], [sflag:$0x1] =	stream.indirect_vreg.gather [hbm4b:s3+s2], $0x80, v3, vm0, $0xb8;
	[tilespmem:$0x7C00] =	vst v63  }
0x104: {  	_ = 	snop  }
0x105: {  	[tilespmem:s26], [sflag:$0x1] =	stream.indirect_vreg.gather [hbm4b:s4+s2], $0x80, v3, vm1, $0xb8;
	[tilespmem:$0x7C00] =	vst v63  }
0x106: {  	v3 =	vld [tilespmem:$0x140];
	_ =	sdelay $0x4  }
0x107: {  	v53 =	vshrl.u32 v3, $0x3  }
0x108: {  	v4 =	vmul.u32 $0x18, v53  }
0x109: {  	v3 =	vand.u32 $0x7, v3  }
0x10a: {  	v3 =	vor.u32 v3, v4  }
0x10b: {  	v4 =	vperm.xlane v3, v0;
	_ =	sdelay $0x1  }
0x10c: {  	v4 =	vadd.s32 v1, v4;
	_ =	sdelay $0x1  }
0x10d: {  	v3 =	vperm.xlane v3, v2;
	_ =	sdelay $0x1  }
0x10e: {  	v3 =	vadd.s32 v1, v3  }
0x10f: {  	[tilespmem:s28], [sflag:$0x1] =	stream.indirect_vreg.gather [hbm4b:s3+s2], $0x80, v4, vm0, $0xb8;
	[tilespmem:$0x7C00] =	vst v63  }
0x110: {  	_ = 	snop  }
0x111: {  	[tilespmem:s29], [sflag:$0x1] =	stream.indirect_vreg.gather [hbm4b:s4+s2], $0x80, v4, vm1, $0xb8;
	[tilespmem:$0x7C00] =	vst v63  }
0x112: {  	_ = 	snop  }
0x113: {  	[tilespmem:s30], [sflag:$0x1] =	stream.indirect_vreg.gather [hbm4b:s3+s2], $0x80, v3, vm0, $0xb8;
	[tilespmem:$0x7C00] =	vst v63  }
0x114: {  	_ = 	snop  }
0x115: {  	[tilespmem:s31], [sflag:$0x1] =	stream.indirect_vreg.gather [hbm4b:s4+s2], $0x80, v3, vm1, $0xb8;
	[tilespmem:$0x7C00] =	vst v63  }
0x116: {  	_ =	swait.ge [sflag:s1], $0x7800  }
0x117: {  	[sflag:s1] =	ssyncset.done $0x0  }
0x118: {  	[sflag:s1] =	ssyncadd.s32 $0xFFFF8800  }
0x119: {  	[hbm4b:s6+s2] =	stream.linear.scatter [tilespmem:s11], [sflag:$0x2], $0x7800, $0x38;
	[tilespmem:$0x7C00] =	vst v63  }
0x11a: {  	_ =	swait.ge [sflag:s10], $0x7800  }
0x11b: {  	[sflag:s10] =	ssyncset.done $0x0  }
0x11c: {  	[sflag:s10] =	ssyncadd.s32 $0xFFFF8800  }
0x11d: {  	v3 =	vld [tilespmem:$0x180];
	_ =	sdelay $0x4  }
0x11e: {  	v54 =	vshrl.u32 v3, $0x3  }
0x11f: {  	v4 =	vmul.u32 $0x18, v54  }
0x120: {  	v3 =	vand.u32 $0x7, v3  }
0x121: {  	v3 =	vor.u32 v3, v4  }
0x122: {  	v4 =	vperm.xlane v3, v0;
	_ =	sdelay $0x1  }
0x123: {  	v4 =	vadd.s32 v1, v4;
	_ =	sdelay $0x1  }
0x124: {  	v3 =	vperm.xlane v3, v2;
	_ =	sdelay $0x1  }
0x125: {  	v3 =	vadd.s32 v1, v3  }
0x126: {  	[tilespmem:s11], [sflag:$0x1] =	stream.indirect_vreg.gather [hbm4b:s3+s2], $0x80, v4, vm0, $0xb8;
	[tilespmem:$0x7C00] =	vst v63  }
0x127: {  	_ = 	snop  }
0x128: {  	[tilespmem:s12], [sflag:$0x1] =	stream.indirect_vreg.gather [hbm4b:s4+s2], $0x80, v4, vm1, $0xb8;
	[tilespmem:$0x7C00] =	vst v63  }
0x129: {  	_ = 	snop  }
0x12a: {  	[tilespmem:s13], [sflag:$0x1] =	stream.indirect_vreg.gather [hbm4b:s3+s2], $0x80, v3, vm0, $0xb8;
	[tilespmem:$0x7C00] =	vst v63  }
0x12b: {  	_ = 	snop  }
0x12c: {  	[tilespmem:s14], [sflag:$0x1] =	stream.indirect_vreg.gather [hbm4b:s4+s2], $0x80, v3, vm1, $0xb8;
	[tilespmem:$0x7C00] =	vst v63  }
0x12d: {  	v3 =	vld [tilespmem:$0x190];
	_ =	sdelay $0x4  }
0x12e: {  	v55 =	vshrl.u32 v3, $0x3  }
0x12f: {  	v4 =	vmul.u32 $0x18, v55  }
0x130: {  	v3 =	vand.u32 $0x7, v3  }
0x131: {  	v3 =	vor.u32 v3, v4  }
0x132: {  	v4 =	vperm.xlane v3, v0;
	_ =	sdelay $0x1  }
0x133: {  	v4 =	vadd.s32 v1, v4;
	_ =	sdelay $0x1  }
0x134: {  	v3 =	vperm.xlane v3, v2;
	_ =	sdelay $0x1  }
0x135: {  	v3 =	vadd.s32 v1, v3  }
0x136: {  	[tilespmem:s15], [sflag:$0x1] =	stream.indirect_vreg.gather [hbm4b:s3+s2], $0x80, v4, vm0, $0xb8;
	[tilespmem:$0x7C00] =	vst v63  }
0x137: {  	_ = 	snop  }
0x138: {  	[tilespmem:s16], [sflag:$0x1] =	stream.indirect_vreg.gather [hbm4b:s4+s2], $0x80, v4, vm1, $0xb8;
	[tilespmem:$0x7C00] =	vst v63  }
0x139: {  	_ = 	snop  }
0x13a: {  	[tilespmem:s17], [sflag:$0x1] =	stream.indirect_vreg.gather [hbm4b:s3+s2], $0x80, v3, vm0, $0xb8;
	[tilespmem:$0x7C00] =	vst v63  }
0x13b: {  	_ = 	snop  }
0x13c: {  	[tilespmem:s18], [sflag:$0x1] =	stream.indirect_vreg.gather [hbm4b:s4+s2], $0x80, v3, vm1, $0xb8;
	[tilespmem:$0x7C00] =	vst v63  }
0x13d: {  	v3 =	vld [tilespmem:$0x1A0];
	_ =	sdelay $0x4  }
0x13e: {  	v56 =	vshrl.u32 v3, $0x3  }
0x13f: {  	v4 =	vmul.u32 $0x18, v56  }
0x140: {  	v3 =	vand.u32 $0x7, v3  }
0x141: {  	v3 =	vor.u32 v3, v4  }
0x142: {  	v4 =	vperm.xlane v3, v0;
	_ =	sdelay $0x1  }
0x143: {  	v4 =	vadd.s32 v1, v4;
	_ =	sdelay $0x1  }
0x144: {  	v3 =	vperm.xlane v3, v2;
	_ =	sdelay $0x1  }
0x145: {  	v3 =	vadd.s32 v1, v3  }
0x146: {  	[tilespmem:s19], [sflag:$0x1] =	stream.indirect_vreg.gather [hbm4b:s3+s2], $0x80, v4, vm0, $0xb8;
	[tilespmem:$0x7C00] =	vst v63  }
0x147: {  	_ = 	snop  }
0x148: {  	[tilespmem:s20], [sflag:$0x1] =	stream.indirect_vreg.gather [hbm4b:s4+s2], $0x80, v4, vm1, $0xb8;
	[tilespmem:$0x7C00] =	vst v63  }
0x149: {  	_ = 	snop  }
0x14a: {  	[tilespmem:s21], [sflag:$0x1] =	stream.indirect_vreg.gather [hbm4b:s3+s2], $0x80, v3, vm0, $0xb8;
	[tilespmem:$0x7C00] =	vst v63  }
0x14b: {  	_ = 	snop  }
0x14c: {  	[tilespmem:s22], [sflag:$0x1] =	stream.indirect_vreg.gather [hbm4b:s4+s2], $0x80, v3, vm1, $0xb8;
	[tilespmem:$0x7C00] =	vst v63  }
0x14d: {  	v3 =	vld [tilespmem:$0x1B0];
	_ =	sdelay $0x4  }
0x14e: {  	v57 =	vshrl.u32 v3, $0x3  }
0x14f: {  	v4 =	vmul.u32 $0x18, v57  }
0x150: {  	v3 =	vand.u32 $0x7, v3  }
0x151: {  	v3 =	vor.u32 v3, v4  }
0x152: {  	v4 =	vperm.xlane v3, v0;
	_ =	sdelay $0x1  }
0x153: {  	v4 =	vadd.s32 v1, v4;
	_ =	sdelay $0x1  }
0x154: {  	v3 =	vperm.xlane v3, v2;
	_ =	sdelay $0x1  }
0x155: {  	v3 =	vadd.s32 v1, v3  }
0x156: {  	[tilespmem:s23], [sflag:$0x1] =	stream.indirect_vreg.gather [hbm4b:s3+s2], $0x80, v4, vm0, $0xb8;
	[tilespmem:$0x7C00] =	vst v63  }
0x157: {  	_ = 	snop  }
0x158: {  	[tilespmem:s24], [sflag:$0x1] =	stream.indirect_vreg.gather [hbm4b:s4+s2], $0x80, v4, vm1, $0xb8;
	[tilespmem:$0x7C00] =	vst v63  }
0x159: {  	_ = 	snop  }
0x15a: {  	[tilespmem:s25], [sflag:$0x1] =	stream.indirect_vreg.gather [hbm4b:s3+s2], $0x80, v3, vm0, $0xb8;
	[tilespmem:$0x7C00] =	vst v63  }
0x15b: {  	_ = 	snop  }
0x15c: {  	[tilespmem:s26], [sflag:$0x1] =	stream.indirect_vreg.gather [hbm4b:s4+s2], $0x80, v3, vm1, $0xb8;
	[tilespmem:$0x7C00] =	vst v63  }
0x15d: {  	v3 =	vld [tilespmem:$0x1C0];
	_ =	sdelay $0x4  }
0x15e: {  	v58 =	vshrl.u32 v3, $0x3  }
0x15f: {  	v4 =	vmul.u32 $0x18, v58  }
0x160: {  	v3 =	vand.u32 $0x7, v3  }
0x161: {  	v3 =	vor.u32 v3, v4  }
0x162: {  	v4 =	vperm.xlane v3, v0;
	_ =	sdelay $0x1  }
0x163: {  	v4 =	vadd.s32 v1, v4;
	_ =	sdelay $0x1  }
0x164: {  	v3 =	vperm.xlane v3, v2;
	_ =	sdelay $0x1  }
0x165: {  	v3 =	vadd.s32 v1, v3  }
0x166: {  	[tilespmem:s28], [sflag:$0x1] =	stream.indirect_vreg.gather [hbm4b:s3+s2], $0x80, v4, vm0, $0xb8;
	[tilespmem:$0x7C00] =	vst v63  }
0x167: {  	_ = 	snop  }
0x168: {  	[tilespmem:s29], [sflag:$0x1] =	stream.indirect_vreg.gather [hbm4b:s4+s2], $0x80, v4, vm1, $0xb8;
	[tilespmem:$0x7C00] =	vst v63  }
0x169: {  	_ = 	snop  }
0x16a: {  	[tilespmem:s30], [sflag:$0x1] =	stream.indirect_vreg.gather [hbm4b:s3+s2], $0x80, v3, vm0, $0xb8;
	[tilespmem:$0x7C00] =	vst v63  }
0x16b: {  	_ = 	snop  }
0x16c: {  	[tilespmem:s31], [sflag:$0x1] =	stream.indirect_vreg.gather [hbm4b:s4+s2], $0x80, v3, vm1, $0xb8;
	[tilespmem:$0x7C00] =	vst v63  }
0x16d: {  	_ =	swait.ge [sflag:s1], $0x7800  }
0x16e: {  	[sflag:s1] =	ssyncset.done $0x0  }
0x16f: {  	[sflag:s1] =	ssyncadd.s32 $0xFFFF8800  }
0x170: {  	[hbm4b:s7+s2] =	stream.linear.scatter [tilespmem:s11], [sflag:$0x2], $0x7800, $0x38;
	[tilespmem:$0x7C00] =	vst v63  }
0x171: {  	_ =	swait.ge [sflag:s10], $0x7800  }
0x172: {  	[sflag:s10] =	ssyncset.done $0x0  }
0x173: {  	[sflag:s10] =	ssyncadd.s32 $0xFFFF8800  }
0x174: {  	v3 =	vld [tilespmem:$0x200];
	_ =	sdelay $0x4  }
0x175: {  	v59 =	vshrl.u32 v3, $0x3  }
0x176: {  	v4 =	vmul.u32 $0x18, v59  }
0x177: {  	v3 =	vand.u32 $0x7, v3  }
0x178: {  	v3 =	vor.u32 v3, v4  }
0x179: {  	v4 =	vperm.xlane v3, v0;
	_ =	sdelay $0x1  }
0x17a: {  	v4 =	vadd.s32 v1, v4;
	_ =	sdelay $0x1  }
0x17b: {  	v3 =	vperm.xlane v3, v2;
	_ =	sdelay $0x1  }
0x17c: {  	v3 =	vadd.s32 v1, v3  }
0x17d: {  	[tilespmem:s11], [sflag:$0x1] =	stream.indirect_vreg.gather [hbm4b:s3+s2], $0x80, v4, vm0, $0xb8;
	[tilespmem:$0x7C00] =	vst v63  }
0x17e: {  	_ = 	snop  }
0x17f: {  	[tilespmem:s12], [sflag:$0x1] =	stream.indirect_vreg.gather [hbm4b:s4+s2], $0x80, v4, vm1, $0xb8;
	[tilespmem:$0x7C00] =	vst v63  }
0x180: {  	_ = 	snop  }
0x181: {  	[tilespmem:s13], [sflag:$0x1] =	stream.indirect_vreg.gather [hbm4b:s3+s2], $0x80, v3, vm0, $0xb8;
	[tilespmem:$0x7C00] =	vst v63  }
0x182: {  	_ = 	snop  }
0x183: {  	[tilespmem:s14], [sflag:$0x1] =	stream.indirect_vreg.gather [hbm4b:s4+s2], $0x80, v3, vm1, $0xb8;
	[tilespmem:$0x7C00] =	vst v63  }
0x184: {  	v3 =	vld [tilespmem:$0x210];
	_ =	sdelay $0x4  }
0x185: {  	v60 =	vshrl.u32 v3, $0x3  }
0x186: {  	v4 =	vmul.u32 $0x18, v60  }
0x187: {  	v3 =	vand.u32 $0x7, v3  }
0x188: {  	v3 =	vor.u32 v3, v4  }
0x189: {  	v4 =	vperm.xlane v3, v0;
	_ =	sdelay $0x1  }
0x18a: {  	v4 =	vadd.s32 v1, v4;
	_ =	sdelay $0x1  }
0x18b: {  	v3 =	vperm.xlane v3, v2;
	_ =	sdelay $0x1  }
0x18c: {  	v3 =	vadd.s32 v1, v3  }
0x18d: {  	[tilespmem:s15], [sflag:$0x1] =	stream.indirect_vreg.gather [hbm4b:s3+s2], $0x80, v4, vm0, $0xb8;
	[tilespmem:$0x7C00] =	vst v63  }
0x18e: {  	_ = 	snop  }
0x18f: {  	[tilespmem:s16], [sflag:$0x1] =	stream.indirect_vreg.gather [hbm4b:s4+s2], $0x80, v4, vm1, $0xb8;
	[tilespmem:$0x7C00] =	vst v63  }
0x190: {  	_ = 	snop  }
0x191: {  	[tilespmem:s17], [sflag:$0x1] =	stream.indirect_vreg.gather [hbm4b:s3+s2], $0x80, v3, vm0, $0xb8;
	[tilespmem:$0x7C00] =	vst v63  }
0x192: {  	_ = 	snop  }
0x193: {  	[tilespmem:s18], [sflag:$0x1] =	stream.indirect_vreg.gather [hbm4b:s4+s2], $0x80, v3, vm1, $0xb8;
	[tilespmem:$0x7C00] =	vst v63  }
0x194: {  	v3 =	vld [tilespmem:$0x220];
	_ =	sdelay $0x4  }
0x195: {  	v61 =	vshrl.u32 v3, $0x3  }
0x196: {  	v4 =	vmul.u32 $0x18, v61  }
0x197: {  	v3 =	vand.u32 $0x7, v3  }
0x198: {  	v3 =	vor.u32 v3, v4  }
0x199: {  	v4 =	vperm.xlane v3, v0;
	_ =	sdelay $0x1  }
0x19a: {  	v4 =	vadd.s32 v1, v4;
	_ =	sdelay $0x1  }
0x19b: {  	v3 =	vperm.xlane v3, v2;
	_ =	sdelay $0x1  }
0x19c: {  	v3 =	vadd.s32 v1, v3  }
0x19d: {  	[tilespmem:s19], [sflag:$0x1] =	stream.indirect_vreg.gather [hbm4b:s3+s2], $0x80, v4, vm0, $0xb8;
	[tilespmem:$0x7C00] =	vst v63  }
0x19e: {  	_ = 	snop  }
0x19f: {  	[tilespmem:s20], [sflag:$0x1] =	stream.indirect_vreg.gather [hbm4b:s4+s2], $0x80, v4, vm1, $0xb8;
	[tilespmem:$0x7C00] =	vst v63  }
0x1a0: {  	_ = 	snop  }
0x1a1: {  	[tilespmem:s21], [sflag:$0x1] =	stream.indirect_vreg.gather [hbm4b:s3+s2], $0x80, v3, vm0, $0xb8;
	[tilespmem:$0x7C00] =	vst v63  }
0x1a2: {  	_ = 	snop  }
0x1a3: {  	[tilespmem:s22], [sflag:$0x1] =	stream.indirect_vreg.gather [hbm4b:s4+s2], $0x80, v3, vm1, $0xb8;
	[tilespmem:$0x7C00] =	vst v63  }
0x1a4: {  	v3 =	vld [tilespmem:$0x230];
	_ =	sdelay $0x4  }
0x1a5: {  	v62 =	vshrl.u32 v3, $0x3  }
0x1a6: {  	v4 =	vmul.u32 $0x18, v62  }
0x1a7: {  	v3 =	vand.u32 $0x7, v3  }
0x1a8: {  	v3 =	vor.u32 v3, v4  }
0x1a9: {  	v4 =	vperm.xlane v3, v0;
	_ =	sdelay $0x1  }
0x1aa: {  	v4 =	vadd.s32 v1, v4;
	_ =	sdelay $0x1  }
0x1ab: {  	v3 =	vperm.xlane v3, v2;
	_ =	sdelay $0x1  }
0x1ac: {  	v3 =	vadd.s32 v1, v3  }
0x1ad: {  	[tilespmem:s23], [sflag:$0x1] =	stream.indirect_vreg.gather [hbm4b:s3+s2], $0x80, v4, vm0, $0xb8;
	[tilespmem:$0x7C00] =	vst v63  }
0x1ae: {  	_ = 	snop  }
0x1af: {  	[tilespmem:s24], [sflag:$0x1] =	stream.indirect_vreg.gather [hbm4b:s4+s2], $0x80, v4, vm1, $0xb8;
	[tilespmem:$0x7C00] =	vst v63  }
0x1b0: {  	_ = 	snop  }
0x1b1: {  	[tilespmem:s25], [sflag:$0x1] =	stream.indirect_vreg.gather [hbm4b:s3+s2], $0x80, v3, vm0, $0xb8;
	[tilespmem:$0x7C00] =	vst v63  }
0x1b2: {  	_ = 	snop  }
0x1b3: {  	[tilespmem:s26], [sflag:$0x1] =	stream.indirect_vreg.gather [hbm4b:s4+s2], $0x80, v3, vm1, $0xb8;
	[tilespmem:$0x7C00] =	vst v63  }
0x1b4: {  	v3 =	vld [tilespmem:$0x240];
	_ =	sdelay $0x4  }
0x1b5: {  	v63 =	vshrl.u32 v3, $0x3  }
0x1b6: {  	v4 =	vmul.u32 $0x18, v63  }
0x1b7: {  	v3 =	vand.u32 $0x7, v3  }
0x1b8: {  	v3 =	vor.u32 v3, v4  }
0x1b9: {  	v4 =	vperm.xlane v3, v0;
	_ =	sdelay $0x1  }
0x1ba: {  	v4 =	vadd.s32 v1, v4;
	_ =	sdelay $0x1  }
0x1bb: {  	v3 =	vperm.xlane v3, v2;
	_ =	sdelay $0x1  }
0x1bc: {  	v3 =	vadd.s32 v1, v3  }
0x1bd: {  	[tilespmem:s28], [sflag:$0x1] =	stream.indirect_vreg.gather [hbm4b:s3+s2], $0x80, v4, vm0, $0xb8;
	[tilespmem:$0x7C00] =	vst v63  }
0x1be: {  	_ = 	snop  }
0x1bf: {  	[tilespmem:s29], [sflag:$0x1] =	stream.indirect_vreg.gather [hbm4b:s4+s2], $0x80, v4, vm1, $0xb8;
	[tilespmem:$0x7C00] =	vst v63  }
0x1c0: {  	_ = 	snop  }
0x1c1: {  	[tilespmem:s30], [sflag:$0x1] =	stream.indirect_vreg.gather [hbm4b:s3+s2], $0x80, v3, vm0, $0xb8;
	[tilespmem:$0x7C00] =	vst v63  }
0x1c2: {  	_ = 	snop  }
0x1c3: {  	[tilespmem:s31], [sflag:$0x1] =	stream.indirect_vreg.gather [hbm4b:s4+s2], $0x80, v3, vm1, $0xb8;
	[tilespmem:$0x7C00] =	vst v63  }
0x1c4: {  	_ =	swait.ge [sflag:s1], $0x7800  }
0x1c5: {  	p0 =	sne.s32 s9, $0x1;
	[sflag:s1] =	ssyncset.done $0x0  }
.Ltmp0:
0x1c6: {  	[sflag:s1] =	ssyncadd.s32 $0xFFFF8800;
	(pc) =	sbr.rel @p0 .LBB2_1-.Ltmp0, $4  }
0x1c7: {  	[hbm4b:s8+s2] =	stream.linear.scatter [tilespmem:s11], [sflag:$0x2], $0x7800, $0x38;
	[tilespmem:$0x7C00] =	vst v63  }
0x1c8: {  	_ =	swait.ge [sflag:s10], $0x7800  }
0x1c9: {  	[sflag:s10] =	ssyncset.done $0x0  }
0x1ca: {  	s9 =	sadd.s32 $0xFFFFFFFF, s9;
	[sflag:s10] =	ssyncadd.s32 $0xFFFF8800  }
0x1cb: {  	_ =	sfence.sel $0x180000  }
0x1cc: {  	[bflag:$0x0] =	sbarrier.arrive $0xFFFF  }
0x1cd: {  	_ =	strace $0x90000047  }
0x1ce: {  	s0 =	stileid.u32;
	[bflag:$0x2] =	sbarrier.arrive $0xFFFF  }
0x1cf: {  	p0 =	sne.s32 s0, $0x0;
	s0 =	rddreg [dreg:$0x1]  }
0x1d0: {  	s0 =	sadd.s32 @!p0 $0x100000, s0  }
0x1d1: {  	[sflag:s0] =	ssyncadd.tile.s32 @!p0 $0x1;
	_ =	shalt  }
.Lfunc_end2:
_tile_overlayer_lowered:
.L_overlay_start_2:
0x1d2: {  	(tag) =	ssettag $0x2  }
0x1d3: {  	s0 =	rddreg [dreg:$0x0];
	s2 =	stileid.u32  }
0x1d4: {  	s1 =	rddreg [dreg:$0x1];
	p0 =	sne.s32 s2, $0x0  }
0x1d5: {  	s3 =	rddreg [dreg:$0x2];
	[bflag:$0x3] =	sbarrier.arrive $0xFFFF;
	s2 =	simm.s32 @!p0 $0x1C02  }
0x1d6: {  	[timem:s3], [sflag:s2] =	dma.local @!p0 [hbm:s0], s1  }
0x1d7: {  	s0 =	simm.s32 @!p0 $0x2  }
0x1d8: {  	_ =	swait.ge @!p0 [sflag:s0], s1  }
0x1d9: {  	s1 =	ssub.s32 @!p0 $0x0, s1;
	[sflag:s0] =	ssyncset.done @!p0 $0x0  }
0x1da: {  	[sflag:s0] =	ssyncadd.s32 @!p0 s1  }
0x1db: {  	[bflag:$0x3] =	sbarrier.arrive $0xFFFF  }
0x1dc: {  	_ =	shalt  }

</sc_bundles>
